<compile_context>
chip_gen: v7x
topology: tpu7x:2x2x1
jax: 0.10.2.dev20260603
libtpu: 0.0.44.dev20260713+nightly
codegen_flags: <defaults>
</compile_context>

<pallas_src>
import functools

import jax
import jax.numpy as jnp
from jax import lax
from jax.experimental import pallas as pl
from jax.experimental.pallas import tpu as pltpu
from jax.experimental.pallas import tpu_sc as plsc

E = 3_200_000
F = 3
VOCAB = 8
EMB = 16

NC, NS = 2, 16
NW = NC * NS
CHUNK = 3200
N_CHUNKS = E // CHUNK
_GCHUNKS = [(0, CHUNK)]

_PACK_EDGES = 128000
_PACK_OUT_R = _PACK_EDGES // 128


def _combine_body(t0_ref, t1_ref, t2_ref, c_ref):
    t0 = t0_ref[...]
    t1 = t1_ref[...]
    t2 = t2_ref[...]
    x = t0[:, None, None, :] + t1[None, :, None, :] + t2[None, None, :, :]
    c_ref[...] = x.reshape(VOCAB ** 3, EMB)


def _build_combined(T0, T1, T2):
    return pl.pallas_call(
        _combine_body,
        out_shape=jax.ShapeDtypeStruct((VOCAB ** 3, EMB), jnp.float32),
    )(T0, T1, T2)


def _pack_body(attr_ref, idx_ref):
    x = attr_ref[...]
    packed = x[0] * 64 + x[1] * 8 + x[2]
    idx_ref[...] = packed.reshape(_PACK_OUT_R, 128)


def _pack_indices(edge_attr):
    attr_t = edge_attr.T
    idx = pl.pallas_call(
        _pack_body,
        grid=(E // _PACK_EDGES,),
        in_specs=[pl.BlockSpec((F, _PACK_EDGES), lambda i: (0, i))],
        out_specs=pl.BlockSpec((_PACK_OUT_R, 128), lambda i: (i, 0)),
        out_shape=jax.ShapeDtypeStruct((E // 128, 128), jnp.int32),
    )(attr_t)
    return idx.reshape(E)


@functools.partial(
    pl.kernel,
    out_type=jax.ShapeDtypeStruct((E, EMB), jnp.float32),
    mesh=plsc.VectorSubcoreMesh(core_axis_name="c", subcore_axis_name="s"),
    compiler_params=pltpu.CompilerParams(use_tc_tiling_on_sc=False),
    scratch_types=[
        pltpu.VMEM((2, CHUNK), jnp.int32),
        pltpu.VMEM((2, CHUNK, EMB), jnp.float32),
        pltpu.VMEM_SHARED((VOCAB ** 3, EMB), jnp.float32),
        pltpu.SemaphoreType.DMA,
        pltpu.SemaphoreType.DMA,
        pltpu.SemaphoreType.DMA,
    ],
)
def _sc_encode(idx_hbm, c_hbm, out_hbm, idx_v, rows_v, c_sh, isem, gsem, osem):
    wid = lax.axis_index("s") * NC + lax.axis_index("c")
    n_valid = (N_CHUNKS - wid + NW - 1) // NW

    @pl.when(lax.axis_index("s") == 0)
    def _():
        pltpu.sync_copy(c_hbm, c_sh)

    plsc.subcore_barrier()

    def idx_slice(i):
        return idx_hbm.at[pl.ds((wid + i * NW) * CHUNK, CHUNK)]

    def out_slice(i):
        return out_hbm.at[pl.ds((wid + i * NW) * CHUNK, CHUNK)]

    @pl.when(n_valid > 0)
    def _():
        pltpu.async_copy(idx_slice(0), idx_v.at[0], isem)

    def body(i, carry):
        p = lax.rem(i, 2)

        @pl.when(i >= 2)
        def _():
            pltpu.make_async_copy(rows_v.at[p], out_slice(i), osem).wait()

        pltpu.make_async_copy(idx_slice(i), idx_v.at[p], isem).wait()

        @pl.when(i + 1 < n_valid)
        def _():
            pltpu.async_copy(idx_slice(i + 1), idx_v.at[1 - p], isem)

        handles = [
            pltpu.async_copy(
                c_sh.at[idx_v.at[p].at[pl.ds(off, sz)]],
                rows_v.at[p].at[pl.ds(off, sz)],
                gsem,
            )
            for off, sz in _GCHUNKS
        ]
        for h in handles:
            h.wait()
        pltpu.async_copy(rows_v.at[p], out_slice(i), osem)
        return carry

    lax.fori_loop(0, n_valid, body, 0)

    @pl.when(n_valid >= 1)
    def _():
        pltpu.make_async_copy(rows_v.at[0], out_slice(0), osem).wait()

    @pl.when(n_valid >= 2)
    def _():
        pltpu.make_async_copy(rows_v.at[1], out_slice(0), osem).wait()


def kernel(edge_attr, T0, T1, T2):
    c = _build_combined(T0, T1, T2)
    idx = _pack_indices(edge_attr)
    return _sc_encode(idx, c)

# --- scband reference (transcript-rebuilt; emitter-appended) ---
"""Pipeline reference for scband-e-feature-encoder-33878702031159 (READ-ONLY COPY).

The authoritative reference and input builder live on the scoring server;
editing this copy changes nothing except your own understanding.
"""

import jax, jax.numpy as jnp
import numpy as np

E = 3200000
F = 3
VOCAB = 8
EMB = 16

def _xavier(key, shape):
    fan_in, fan_out = shape[0], shape[1]
    limit = float(np.sqrt(6.0 / (fan_in + fan_out)))
    return jax.random.uniform(key, shape, dtype=jnp.float32, minval=-limit, maxval=limit)

def setup_inputs(seed: int = 0) -> dict:
    key = jax.random.key(seed)
    k0, k1, k2, k3 = jax.random.split(key, 4)
    edge_attr = jax.random.randint(k0, (E, F), 0, VOCAB, dtype=jnp.int32)
    T0 = _xavier(k1, (VOCAB, EMB))
    T1 = _xavier(k2, (VOCAB, EMB))
    T2 = _xavier(k3, (VOCAB, EMB))
    return {"edge_attr": edge_attr, "T0": T0, "T1": T1, "T2": T2}

def reference(edge_attr, T0, T1, T2):
    # eFeatureEncoder.forward: sum of per-feature embedding lookups over edge_attr columns
    encoded = jnp.take(T0, edge_attr[:, 0], axis=0)
    encoded = encoded + jnp.take(T1, edge_attr[:, 1], axis=0)
    encoded = encoded + jnp.take(T2, edge_attr[:, 2], axis=0)
    return encoded

if __name__ == "__main__":
    import jax
    _d = setup_inputs()
    print(jax.jit(kernel)(*tuple(_d.values())))

</pallas_src>

<mosaic_0001>
#map = affine_map<(d0, d1) -> (0)>
#map1 = affine_map<(d0, d1) -> (0, 0)>
module attributes {stable_mosaic.version = 14 : i64} {
  func.func @_sc_encode(%arg0: i32, %arg1: i32, %arg2: memref<3200000xi32, #tpu.memory_space<hbm>>, %arg3: memref<512x16xf32, #tpu.memory_space<hbm>>, %arg4: memref<3200000x16xf32, #tpu.memory_space<hbm>>, %arg5: memref<2x3200xi32, #tpu.memory_space<vmem>>, %arg6: memref<2x3200x16xf32, #tpu.memory_space<vmem>>, %arg7: memref<512x16xf32, #tpu.memory_space<vmem_shared>>, %arg8: memref<!tpu.dma_semaphore, #tpu.memory_space<semaphore_mem>>, %arg9: memref<!tpu.dma_semaphore, #tpu.memory_space<semaphore_mem>>, %arg10: memref<!tpu.dma_semaphore, #tpu.memory_space<semaphore_mem>>) attributes {dimension_semantics = [#tpu.dimension_semantics<core_parallel>, #tpu.dimension_semantics<subcore_parallel>], iteration_bounds = array<i64: 2, 16>, scalar_prefetch = 0 : i64, scratch_operands = 6 : i64, tpu.core_type = #tpu.core_type<sc_vector_subcore>, window_params = [{transform_indices = #map}, {transform_indices = #map1}, {transform_indices = #map1}]} {
    %mul3A = arith.constant 2 : i32
    %mul3A_0 = arith.muli %arg1, %mul3A : i32
    %add3A = arith.addi %mul3A_0, %arg0 : i32
    %sub3A = arith.constant 1000 : i32
    %sub3A_1 = arith.subi %sub3A, %add3A : i32
    %add3A_2 = arith.constant 32 : i32
    %add3A_3 = arith.addi %sub3A_1, %add3A_2 : i32
    %sub3A_4 = arith.constant 1 : i32
    %sub3A_5 = arith.subi %add3A_3, %sub3A_4 : i32
    %jit3A = arith.constant 32 : i32
    %div3A = arith.divsi %sub3A_5, %jit3A : i32
    %sign3A = arith.constant 0 : i32
    %sign3A_6 = arith.cmpi sgt, %sub3A_5, %sign3A : i32
    %sign3A_7 = arith.extui %sign3A_6 : i1 to i32
    %sign3A_8 = arith.constant 0 : i32
    %sign3A_9 = arith.cmpi slt, %sub3A_5, %sign3A_8 : i32
    %sign3A_10 = arith.extui %sign3A_9 : i1 to i32
    %sign3A_11 = arith.subi %sign3A_7, %sign3A_10 : i32
    %sign3A_12 = arith.constant 0 : i32
    %sign3A_13 = arith.cmpi sgt, %jit3A, %sign3A_12 : i32
    %sign3A_14 = arith.extui %sign3A_13 : i1 to i32
    %sign3A_15 = arith.constant 0 : i32
    %sign3A_16 = arith.cmpi slt, %jit3A, %sign3A_15 : i32
    %sign3A_17 = arith.extui %sign3A_16 : i1 to i32
    %sign3A_18 = arith.subi %sign3A_14, %sign3A_17 : i32
    %ne3A = arith.cmpi ne, %sign3A_11, %sign3A_18 : i32
    %rem3A = arith.remsi %sub3A_5, %jit3A : i32
    %ne3A_19 = arith.constant 0 : i32
    %ne3A_20 = arith.cmpi ne, %rem3A, %ne3A_19 : i32
    %and3A = arith.andi %ne3A, %ne3A_20 : i1
    %sub3A_21 = arith.constant 1 : i32
    %sub3A_22 = arith.subi %div3A, %sub3A_21 : i32
    %select_n3A = arith.select %and3A, %sub3A_22, %div3A : i32
    %eq3A = arith.constant 0 : i32
    %eq3A_23 = arith.cmpi eq, %arg1, %eq3A : i32
    %convert_element_type3A = arith.extui %eq3A_23 : i1 to i32
    %cond3A = arith.constant 0 : i32
    %cond3A_24 = arith.cmpi ne, %convert_element_type3A, %cond3A : i32
    scf.if %cond3A_24 {
      "tpu.region"() ({
        %run_scoped3A = tpu.sem_alloc : memref<!tpu.dma_semaphore, #tpu.memory_space<semaphore_mem>>
        tpu.enqueue_dma source(%arg3 : memref<512x16xf32, #tpu.memory_space<hbm>>) target(%arg7 : memref<512x16xf32, #tpu.memory_space<vmem_shared>>) target_semaphore(%run_scoped3A : memref<!tpu.dma_semaphore, #tpu.memory_space<semaphore_mem>>)
        tpu.wait_dma2 semaphore(%run_scoped3A : memref<!tpu.dma_semaphore, #tpu.memory_space<semaphore_mem>>) src(%arg3 : memref<512x16xf32, #tpu.memory_space<hbm>>) dst(%arg7 : memref<512x16xf32, #tpu.memory_space<vmem_shared>>)
        tpu.yield
      }) : () -> ()
    } else {
    }
    %barrier3A = arith.constant 0 : index
    tpu.barrier barrier_id(%barrier3A)
    %gt3A = arith.constant 0 : i32
    %gt3A_25 = arith.cmpi sgt, %select_n3A, %gt3A : i32
    %convert_element_type3A_26 = arith.extui %gt3A_25 : i1 to i32
    %cond3A_27 = arith.constant 0 : i32
    %cond3A_28 = arith.cmpi ne, %convert_element_type3A_26, %cond3A_27 : i32
    scf.if %cond3A_28 {
      %add3A_47 = arith.constant 0 : i32
      %add3A_48 = arith.addi %add3A, %add3A_47 : i32
      %mul3A_49 = arith.constant 3200 : i32
      %mul3A_50 = arith.muli %add3A_48, %mul3A_49 : i32
      %dma_start3A = arith.constant 0 : i32
      %dma_start3A_51 = arith.constant 0 : i32
      %dma_start3A_52 = tpu.memref_slice %arg5[%dma_start3A, %dma_start3A_51] : memref<2x3200xi32, #tpu.memory_space<vmem>> -> memref<1x3200xi32, #tpu.memory_space<vmem>>
      %dma_start3A_53 = tpu.memref_squeeze %dma_start3A_52 : memref<1x3200xi32, #tpu.memory_space<vmem>> -> memref<3200xi32, #tpu.memory_space<vmem>>
      %dma_start3A_54 = tpu.memref_slice %arg2[%mul3A_50] : memref<3200000xi32, #tpu.memory_space<hbm>> -> memref<3200xi32, #tpu.memory_space<hbm>>
      %dma_start3A_55 = arith.constant 0 : i32
      %dma_start3A_56 = tpu.memref_slice %arg5[%dma_start3A, %dma_start3A_55] : memref<2x3200xi32, #tpu.memory_space<vmem>> -> memref<1x3200xi32, #tpu.memory_space<vmem>>
      %dma_start3A_57 = tpu.memref_squeeze %dma_start3A_56 : memref<1x3200xi32, #tpu.memory_space<vmem>> -> memref<3200xi32, #tpu.memory_space<vmem>>
      %dma_start3A_58 = tpu.memref_slice %arg2[%mul3A_50] : memref<3200000xi32, #tpu.memory_space<hbm>> -> memref<3200xi32, #tpu.memory_space<hbm>>
      tpu.enqueue_dma source(%dma_start3A_58 : memref<3200xi32, #tpu.memory_space<hbm>>) target(%dma_start3A_57 : memref<3200xi32, #tpu.memory_space<vmem>>) target_semaphore(%arg8 : memref<!tpu.dma_semaphore, #tpu.memory_space<semaphore_mem>>)
    } else {
    }
    %while3A = arith.constant 0 : i32
    %while3A_29 = arith.constant 0 : i32
    %while3A_30 = arith.subi %select_n3A, %while3A_29 : i32
    %while3A_31 = arith.addi %while3A_29, %while3A_30 : i32
    %while3A_32 = arith.constant 1 : i32
    %while3A_33 = arith.divsi %while3A_30, %while3A_32 : i32
    %while3A_34 = arith.muli %while3A_33, %while3A_32 : i32
    %while3A_35 = arith.addi %while3A_29, %while3A_34 : i32
    %while3A_36 = arith.constant 1 : i32
    scf.for %while3A_47 = %while3A_29 to %while3A_35 step %while3A_36  : i32 {
      %rem3A_48 = arith.constant 2 : i32
      %rem3A_49 = arith.remsi %while3A_47, %rem3A_48 : i32
      %ge3A_50 = arith.constant 2 : i32
      %ge3A_51 = arith.cmpi sge, %while3A_47, %ge3A_50 : i32
      %convert_element_type3A_52 = arith.extui %ge3A_51 : i1 to i32
      %cond3A_53 = arith.constant 0 : i32
      %cond3A_54 = arith.cmpi ne, %convert_element_type3A_52, %cond3A_53 : i32
      scf.if %cond3A_54 {
        %mul3A_118 = arith.constant 32 : i32
        %mul3A_119 = arith.muli %while3A_47, %mul3A_118 : i32
        %add3A_120 = arith.addi %add3A, %mul3A_119 : i32
        %mul3A_121 = arith.constant 3200 : i32
        %mul3A_122 = arith.muli %add3A_120, %mul3A_121 : i32
        %dma_wait3A_123 = arith.constant 0 : i32
        %dma_wait3A_124 = arith.constant 0 : i32
        %dma_wait3A_125 = tpu.memref_slice %arg6[%rem3A_49, %dma_wait3A_123, %dma_wait3A_124] : memref<2x3200x16xf32, #tpu.memory_space<vmem>> -> memref<1x3200x16xf32, #tpu.memory_space<vmem>>
        %dma_wait3A_126 = tpu.memref_squeeze %dma_wait3A_125 : memref<1x3200x16xf32, #tpu.memory_space<vmem>> -> memref<3200x16xf32, #tpu.memory_space<vmem>>
        %dma_wait3A_127 = arith.constant 0 : i32
        %dma_wait3A_128 = tpu.memref_slice %arg4[%mul3A_122, %dma_wait3A_127] : memref<3200000x16xf32, #tpu.memory_space<hbm>> -> memref<3200x16xf32, #tpu.memory_space<hbm>>
        %dma_wait3A_129 = arith.constant 0 : i32
        %dma_wait3A_130 = tpu.memref_slice %arg4[%mul3A_122, %dma_wait3A_129] : memref<3200000x16xf32, #tpu.memory_space<hbm>> -> memref<3200x16xf32, #tpu.memory_space<hbm>>
        %dma_wait3A_131 = arith.constant 0 : i32
        %dma_wait3A_132 = arith.constant 0 : i32
        %dma_wait3A_133 = tpu.memref_slice %arg6[%rem3A_49, %dma_wait3A_131, %dma_wait3A_132] : memref<2x3200x16xf32, #tpu.memory_space<vmem>> -> memref<1x3200x16xf32, #tpu.memory_space<vmem>>
        %dma_wait3A_134 = tpu.memref_squeeze %dma_wait3A_133 : memref<1x3200x16xf32, #tpu.memory_space<vmem>> -> memref<3200x16xf32, #tpu.memory_space<vmem>>
        tpu.wait_dma2 semaphore(%arg10 : memref<!tpu.dma_semaphore, #tpu.memory_space<semaphore_mem>>) src(%dma_wait3A_134 : memref<3200x16xf32, #tpu.memory_space<vmem>>) dst(%dma_wait3A_130 : memref<3200x16xf32, #tpu.memory_space<hbm>>)
      } else {
      }
      %mul3A_55 = arith.constant 32 : i32
      %mul3A_56 = arith.muli %while3A_47, %mul3A_55 : i32
      %add3A_57 = arith.addi %add3A, %mul3A_56 : i32
      %mul3A_58 = arith.constant 3200 : i32
      %mul3A_59 = arith.muli %add3A_57, %mul3A_58 : i32
      %dma_wait3A = arith.constant 0 : i32
      %dma_wait3A_60 = tpu.memref_slice %arg5[%rem3A_49, %dma_wait3A] : memref<2x3200xi32, #tpu.memory_space<vmem>> -> memref<1x3200xi32, #tpu.memory_space<vmem>>
      %dma_wait3A_61 = tpu.memref_squeeze %dma_wait3A_60 : memref<1x3200xi32, #tpu.memory_space<vmem>> -> memref<3200xi32, #tpu.memory_space<vmem>>
      %dma_wait3A_62 = tpu.memref_slice %arg2[%mul3A_59] : memref<3200000xi32, #tpu.memory_space<hbm>> -> memref<3200xi32, #tpu.memory_space<hbm>>
      %dma_wait3A_63 = arith.constant 0 : i32
      %dma_wait3A_64 = tpu.memref_slice %arg5[%rem3A_49, %dma_wait3A_63] : memref<2x3200xi32, #tpu.memory_space<vmem>> -> memref<1x3200xi32, #tpu.memory_space<vmem>>
      %dma_wait3A_65 = tpu.memref_squeeze %dma_wait3A_64 : memref<1x3200xi32, #tpu.memory_space<vmem>> -> memref<3200xi32, #tpu.memory_space<vmem>>
      %dma_wait3A_66 = tpu.memref_slice %arg2[%mul3A_59] : memref<3200000xi32, #tpu.memory_space<hbm>> -> memref<3200xi32, #tpu.memory_space<hbm>>
      tpu.wait_dma2 semaphore(%arg8 : memref<!tpu.dma_semaphore, #tpu.memory_space<semaphore_mem>>) src(%dma_wait3A_66 : memref<3200xi32, #tpu.memory_space<hbm>>) dst(%dma_wait3A_65 : memref<3200xi32, #tpu.memory_space<vmem>>)
      %add3A_67 = arith.constant 1 : i32
      %add3A_68 = arith.addi %while3A_47, %add3A_67 : i32
      %lt3A = arith.cmpi slt, %add3A_68, %select_n3A : i32
      %convert_element_type3A_69 = arith.extui %lt3A : i1 to i32
      %cond3A_70 = arith.constant 0 : i32
      %cond3A_71 = arith.cmpi ne, %convert_element_type3A_69, %cond3A_70 : i32
      scf.if %cond3A_71 {
        %add3A_118 = arith.constant 1 : i32
        %add3A_119 = arith.addi %while3A_47, %add3A_118 : i32
        %mul3A_120 = arith.constant 32 : i32
        %mul3A_121 = arith.muli %add3A_119, %mul3A_120 : i32
        %add3A_122 = arith.addi %add3A, %mul3A_121 : i32
        %mul3A_123 = arith.constant 3200 : i32
        %mul3A_124 = arith.muli %add3A_122, %mul3A_123 : i32
        %sub3A_125 = arith.constant 1 : i32
        %sub3A_126 = arith.subi %sub3A_125, %rem3A_49 : i32
        %dma_start3A_127 = arith.constant 0 : i32
        %dma_start3A_128 = tpu.memref_slice %arg5[%sub3A_126, %dma_start3A_127] : memref<2x3200xi32, #tpu.memory_space<vmem>> -> memref<1x3200xi32, #tpu.memory_space<vmem>>
        %dma_start3A_129 = tpu.memref_squeeze %dma_start3A_128 : memref<1x3200xi32, #tpu.memory_space<vmem>> -> memref<3200xi32, #tpu.memory_space<vmem>>
        %dma_start3A_130 = tpu.memref_slice %arg2[%mul3A_124] : memref<3200000xi32, #tpu.memory_space<hbm>> -> memref<3200xi32, #tpu.memory_space<hbm>>
        %dma_start3A_131 = arith.constant 0 : i32
        %dma_start3A_132 = tpu.memref_slice %arg5[%sub3A_126, %dma_start3A_131] : memref<2x3200xi32, #tpu.memory_space<vmem>> -> memref<1x3200xi32, #tpu.memory_space<vmem>>
        %dma_start3A_133 = tpu.memref_squeeze %dma_start3A_132 : memref<1x3200xi32, #tpu.memory_space<vmem>> -> memref<3200xi32, #tpu.memory_space<vmem>>
        %dma_start3A_134 = tpu.memref_slice %arg2[%mul3A_124] : memref<3200000xi32, #tpu.memory_space<hbm>> -> memref<3200xi32, #tpu.memory_space<hbm>>
        tpu.enqueue_dma source(%dma_start3A_134 : memref<3200xi32, #tpu.memory_space<hbm>>) target(%dma_start3A_133 : memref<3200xi32, #tpu.memory_space<vmem>>) target_semaphore(%arg8 : memref<!tpu.dma_semaphore, #tpu.memory_space<semaphore_mem>>)
      } else {
      }
      %dma_start3A = arith.constant 0 : i32
      %dma_start3A_72 = arith.constant 0 : i32
      %dma_start3A_73 = tpu.memref_slice %arg6[%rem3A_49, %dma_start3A, %dma_start3A_72] : memref<2x3200x16xf32, #tpu.memory_space<vmem>> -> memref<1x3200x16xf32, #tpu.memory_space<vmem>>
      %dma_start3A_74 = tpu.memref_squeeze %dma_start3A_73 : memref<1x3200x16xf32, #tpu.memory_space<vmem>> -> memref<3200x16xf32, #tpu.memory_space<vmem>>
      %dma_start3A_75 = arith.constant 0 : i32
      %dma_start3A_76 = arith.constant 0 : i32
      %dma_start3A_77 = tpu.memref_slice %dma_start3A_74[%dma_start3A_75, %dma_start3A_76] : memref<3200x16xf32, #tpu.memory_space<vmem>> -> memref<3200x16xf32, #tpu.memory_space<vmem>>
      %dma_start3A_78 = arith.constant 0 : i32
      %dma_start3A_79 = tpu.memref_slice %arg5[%rem3A_49, %dma_start3A_78] : memref<2x3200xi32, #tpu.memory_space<vmem>> -> memref<1x3200xi32, #tpu.memory_space<vmem>>
      %dma_start3A_80 = tpu.memref_squeeze %dma_start3A_79 : memref<1x3200xi32, #tpu.memory_space<vmem>> -> memref<3200xi32, #tpu.memory_space<vmem>>
      %dma_start3A_81 = arith.constant 0 : i32
      %dma_start3A_82 = tpu.memref_slice %dma_start3A_80[%dma_start3A_81] : memref<3200xi32, #tpu.memory_space<vmem>> -> memref<3200xi32, #tpu.memory_space<vmem>>
      %dma_start3A_83 = arith.constant 0 : i32
      %dma_start3A_84 = arith.constant 0 : i32
      %dma_start3A_85 = tpu.memref_slice %arg7[%dma_start3A_83, %dma_start3A_84] : memref<512x16xf32, #tpu.memory_space<vmem_shared>> -> memref<512x16xf32, #tpu.memory_space<vmem_shared>>
      tpu.enqueue_indirect_dma source(%dma_start3A_85 : memref<512x16xf32, #tpu.memory_space<vmem_shared>>) target(%dma_start3A_77 : memref<3200x16xf32, #tpu.memory_space<vmem>>) offsets(%dma_start3A_82 : memref<3200xi32, #tpu.memory_space<vmem>>) semaphore(%arg9 : memref<!tpu.dma_semaphore, #tpu.memory_space<semaphore_mem>>)
      %dma_wait3A_86 = arith.constant 0 : i32
      %dma_wait3A_87 = arith.constant 0 : i32
      %dma_wait3A_88 = tpu.memref_slice %arg6[%rem3A_49, %dma_wait3A_86, %dma_wait3A_87] : memref<2x3200x16xf32, #tpu.memory_space<vmem>> -> memref<1x3200x16xf32, #tpu.memory_space<vmem>>
      %dma_wait3A_89 = tpu.memref_squeeze %dma_wait3A_88 : memref<1x3200x16xf32, #tpu.memory_space<vmem>> -> memref<3200x16xf32, #tpu.memory_space<vmem>>
      %dma_wait3A_90 = arith.constant 0 : i32
      %dma_wait3A_91 = arith.constant 0 : i32
      %dma_wait3A_92 = tpu.memref_slice %dma_wait3A_89[%dma_wait3A_90, %dma_wait3A_91] : memref<3200x16xf32, #tpu.memory_space<vmem>> -> memref<3200x16xf32, #tpu.memory_space<vmem>>
      %dma_wait3A_93 = arith.constant 0 : i32
      %dma_wait3A_94 = tpu.memref_slice %arg5[%rem3A_49, %dma_wait3A_93] : memref<2x3200xi32, #tpu.memory_space<vmem>> -> memref<1x3200xi32, #tpu.memory_space<vmem>>
      %dma_wait3A_95 = tpu.memref_squeeze %dma_wait3A_94 : memref<1x3200xi32, #tpu.memory_space<vmem>> -> memref<3200xi32, #tpu.memory_space<vmem>>
      %dma_wait3A_96 = arith.constant 0 : i32
      %dma_wait3A_97 = tpu.memref_slice %dma_wait3A_95[%dma_wait3A_96] : memref<3200xi32, #tpu.memory_space<vmem>> -> memref<3200xi32, #tpu.memory_space<vmem>>
      %dma_wait3A_98 = arith.constant 0 : i32
      %dma_wait3A_99 = arith.constant 0 : i32
      %dma_wait3A_100 = tpu.memref_slice %arg7[%dma_wait3A_98, %dma_wait3A_99] : memref<512x16xf32, #tpu.memory_space<vmem_shared>> -> memref<512x16xf32, #tpu.memory_space<vmem_shared>>
      tpu.wait_indirect_dma semaphore(%arg9 : memref<!tpu.dma_semaphore, #tpu.memory_space<semaphore_mem>>) src(%dma_wait3A_100 : memref<512x16xf32, #tpu.memory_space<vmem_shared>>) dst(%dma_wait3A_92 : memref<3200x16xf32, #tpu.memory_space<vmem>>)
      %mul3A_101 = arith.constant 32 : i32
      %mul3A_102 = arith.muli %while3A_47, %mul3A_101 : i32
      %add3A_103 = arith.addi %add3A, %mul3A_102 : i32
      %mul3A_104 = arith.constant 3200 : i32
      %mul3A_105 = arith.muli %add3A_103, %mul3A_104 : i32
      %dma_start3A_106 = arith.constant 0 : i32
      %dma_start3A_107 = arith.constant 0 : i32
      %dma_start3A_108 = tpu.memref_slice %arg6[%rem3A_49, %dma_start3A_106, %dma_start3A_107] : memref<2x3200x16xf32, #tpu.memory_space<vmem>> -> memref<1x3200x16xf32, #tpu.memory_space<vmem>>
      %dma_start3A_109 = tpu.memref_squeeze %dma_start3A_108 : memref<1x3200x16xf32, #tpu.memory_space<vmem>> -> memref<3200x16xf32, #tpu.memory_space<vmem>>
      %dma_start3A_110 = arith.constant 0 : i32
      %dma_start3A_111 = tpu.memref_slice %arg4[%mul3A_105, %dma_start3A_110] : memref<3200000x16xf32, #tpu.memory_space<hbm>> -> memref<3200x16xf32, #tpu.memory_space<hbm>>
      %dma_start3A_112 = arith.constant 0 : i32
      %dma_start3A_113 = tpu.memref_slice %arg4[%mul3A_105, %dma_start3A_112] : memref<3200000x16xf32, #tpu.memory_space<hbm>> -> memref<3200x16xf32, #tpu.memory_space<hbm>>
      %dma_start3A_114 = arith.constant 0 : i32
      %dma_start3A_115 = arith.constant 0 : i32
      %dma_start3A_116 = tpu.memref_slice %arg6[%rem3A_49, %dma_start3A_114, %dma_start3A_115] : memref<2x3200x16xf32, #tpu.memory_space<vmem>> -> memref<1x3200x16xf32, #tpu.memory_space<vmem>>
      %dma_start3A_117 = tpu.memref_squeeze %dma_start3A_116 : memref<1x3200x16xf32, #tpu.memory_space<vmem>> -> memref<3200x16xf32, #tpu.memory_space<vmem>>
      tpu.enqueue_dma source(%dma_start3A_117 : memref<3200x16xf32, #tpu.memory_space<vmem>>) target(%dma_start3A_113 : memref<3200x16xf32, #tpu.memory_space<hbm>>) target_semaphore(%arg10 : memref<!tpu.dma_semaphore, #tpu.memory_space<semaphore_mem>>)
    }
    %while3A_37 = arith.constant 1 : i32
    scf.for %while3A_47 = %while3A_35 to %while3A_31 step %while3A_37  : i32 {
      %rem3A_48 = arith.constant 2 : i32
      %rem3A_49 = arith.remsi %while3A_47, %rem3A_48 : i32
      %ge3A_50 = arith.constant 2 : i32
      %ge3A_51 = arith.cmpi sge, %while3A_47, %ge3A_50 : i32
      %convert_element_type3A_52 = arith.extui %ge3A_51 : i1 to i32
      %cond3A_53 = arith.constant 0 : i32
      %cond3A_54 = arith.cmpi ne, %convert_element_type3A_52, %cond3A_53 : i32
      scf.if %cond3A_54 {
        %mul3A_118 = arith.constant 32 : i32
        %mul3A_119 = arith.muli %while3A_47, %mul3A_118 : i32
        %add3A_120 = arith.addi %add3A, %mul3A_119 : i32
        %mul3A_121 = arith.constant 3200 : i32
        %mul3A_122 = arith.muli %add3A_120, %mul3A_121 : i32
        %dma_wait3A_123 = arith.constant 0 : i32
        %dma_wait3A_124 = arith.constant 0 : i32
        %dma_wait3A_125 = tpu.memref_slice %arg6[%rem3A_49, %dma_wait3A_123, %dma_wait3A_124] : memref<2x3200x16xf32, #tpu.memory_space<vmem>> -> memref<1x3200x16xf32, #tpu.memory_space<vmem>>
        %dma_wait3A_126 = tpu.memref_squeeze %dma_wait3A_125 : memref<1x3200x16xf32, #tpu.memory_space<vmem>> -> memref<3200x16xf32, #tpu.memory_space<vmem>>
        %dma_wait3A_127 = arith.constant 0 : i32
        %dma_wait3A_128 = tpu.memref_slice %arg4[%mul3A_122, %dma_wait3A_127] : memref<3200000x16xf32, #tpu.memory_space<hbm>> -> memref<3200x16xf32, #tpu.memory_space<hbm>>
        %dma_wait3A_129 = arith.constant 0 : i32
        %dma_wait3A_130 = tpu.memref_slice %arg4[%mul3A_122, %dma_wait3A_129] : memref<3200000x16xf32, #tpu.memory_space<hbm>> -> memref<3200x16xf32, #tpu.memory_space<hbm>>
        %dma_wait3A_131 = arith.constant 0 : i32
        %dma_wait3A_132 = arith.constant 0 : i32
        %dma_wait3A_133 = tpu.memref_slice %arg6[%rem3A_49, %dma_wait3A_131, %dma_wait3A_132] : memref<2x3200x16xf32, #tpu.memory_space<vmem>> -> memref<1x3200x16xf32, #tpu.memory_space<vmem>>
        %dma_wait3A_134 = tpu.memref_squeeze %dma_wait3A_133 : memref<1x3200x16xf32, #tpu.memory_space<vmem>> -> memref<3200x16xf32, #tpu.memory_space<vmem>>
        tpu.wait_dma2 semaphore(%arg10 : memref<!tpu.dma_semaphore, #tpu.memory_space<semaphore_mem>>) src(%dma_wait3A_134 : memref<3200x16xf32, #tpu.memory_space<vmem>>) dst(%dma_wait3A_130 : memref<3200x16xf32, #tpu.memory_space<hbm>>)
      } else {
      }
      %mul3A_55 = arith.constant 32 : i32
      %mul3A_56 = arith.muli %while3A_47, %mul3A_55 : i32
      %add3A_57 = arith.addi %add3A, %mul3A_56 : i32
      %mul3A_58 = arith.constant 3200 : i32
      %mul3A_59 = arith.muli %add3A_57, %mul3A_58 : i32
      %dma_wait3A = arith.constant 0 : i32
      %dma_wait3A_60 = tpu.memref_slice %arg5[%rem3A_49, %dma_wait3A] : memref<2x3200xi32, #tpu.memory_space<vmem>> -> memref<1x3200xi32, #tpu.memory_space<vmem>>
      %dma_wait3A_61 = tpu.memref_squeeze %dma_wait3A_60 : memref<1x3200xi32, #tpu.memory_space<vmem>> -> memref<3200xi32, #tpu.memory_space<vmem>>
      %dma_wait3A_62 = tpu.memref_slice %arg2[%mul3A_59] : memref<3200000xi32, #tpu.memory_space<hbm>> -> memref<3200xi32, #tpu.memory_space<hbm>>
      %dma_wait3A_63 = arith.constant 0 : i32
      %dma_wait3A_64 = tpu.memref_slice %arg5[%rem3A_49, %dma_wait3A_63] : memref<2x3200xi32, #tpu.memory_space<vmem>> -> memref<1x3200xi32, #tpu.memory_space<vmem>>
      %dma_wait3A_65 = tpu.memref_squeeze %dma_wait3A_64 : memref<1x3200xi32, #tpu.memory_space<vmem>> -> memref<3200xi32, #tpu.memory_space<vmem>>
      %dma_wait3A_66 = tpu.memref_slice %arg2[%mul3A_59] : memref<3200000xi32, #tpu.memory_space<hbm>> -> memref<3200xi32, #tpu.memory_space<hbm>>
      tpu.wait_dma2 semaphore(%arg8 : memref<!tpu.dma_semaphore, #tpu.memory_space<semaphore_mem>>) src(%dma_wait3A_66 : memref<3200xi32, #tpu.memory_space<hbm>>) dst(%dma_wait3A_65 : memref<3200xi32, #tpu.memory_space<vmem>>)
      %add3A_67 = arith.constant 1 : i32
      %add3A_68 = arith.addi %while3A_47, %add3A_67 : i32
      %lt3A = arith.cmpi slt, %add3A_68, %select_n3A : i32
      %convert_element_type3A_69 = arith.extui %lt3A : i1 to i32
      %cond3A_70 = arith.constant 0 : i32
      %cond3A_71 = arith.cmpi ne, %convert_element_type3A_69, %cond3A_70 : i32
      scf.if %cond3A_71 {
        %add3A_118 = arith.constant 1 : i32
        %add3A_119 = arith.addi %while3A_47, %add3A_118 : i32
        %mul3A_120 = arith.constant 32 : i32
        %mul3A_121 = arith.muli %add3A_119, %mul3A_120 : i32
        %add3A_122 = arith.addi %add3A, %mul3A_121 : i32
        %mul3A_123 = arith.constant 3200 : i32
        %mul3A_124 = arith.muli %add3A_122, %mul3A_123 : i32
        %sub3A_125 = arith.constant 1 : i32
        %sub3A_126 = arith.subi %sub3A_125, %rem3A_49 : i32
        %dma_start3A_127 = arith.constant 0 : i32
        %dma_start3A_128 = tpu.memref_slice %arg5[%sub3A_126, %dma_start3A_127] : memref<2x3200xi32, #tpu.memory_space<vmem>> -> memref<1x3200xi32, #tpu.memory_space<vmem>>
        %dma_start3A_129 = tpu.memref_squeeze %dma_start3A_128 : memref<1x3200xi32, #tpu.memory_space<vmem>> -> memref<3200xi32, #tpu.memory_space<vmem>>
        %dma_start3A_130 = tpu.memref_slice %arg2[%mul3A_124] : memref<3200000xi32, #tpu.memory_space<hbm>> -> memref<3200xi32, #tpu.memory_space<hbm>>
        %dma_start3A_131 = arith.constant 0 : i32
        %dma_start3A_132 = tpu.memref_slice %arg5[%sub3A_126, %dma_start3A_131] : memref<2x3200xi32, #tpu.memory_space<vmem>> -> memref<1x3200xi32, #tpu.memory_space<vmem>>
        %dma_start3A_133 = tpu.memref_squeeze %dma_start3A_132 : memref<1x3200xi32, #tpu.memory_space<vmem>> -> memref<3200xi32, #tpu.memory_space<vmem>>
        %dma_start3A_134 = tpu.memref_slice %arg2[%mul3A_124] : memref<3200000xi32, #tpu.memory_space<hbm>> -> memref<3200xi32, #tpu.memory_space<hbm>>
        tpu.enqueue_dma source(%dma_start3A_134 : memref<3200xi32, #tpu.memory_space<hbm>>) target(%dma_start3A_133 : memref<3200xi32, #tpu.memory_space<vmem>>) target_semaphore(%arg8 : memref<!tpu.dma_semaphore, #tpu.memory_space<semaphore_mem>>)
      } else {
      }
      %dma_start3A = arith.constant 0 : i32
      %dma_start3A_72 = arith.constant 0 : i32
      %dma_start3A_73 = tpu.memref_slice %arg6[%rem3A_49, %dma_start3A, %dma_start3A_72] : memref<2x3200x16xf32, #tpu.memory_space<vmem>> -> memref<1x3200x16xf32, #tpu.memory_space<vmem>>
      %dma_start3A_74 = tpu.memref_squeeze %dma_start3A_73 : memref<1x3200x16xf32, #tpu.memory_space<vmem>> -> memref<3200x16xf32, #tpu.memory_space<vmem>>
      %dma_start3A_75 = arith.constant 0 : i32
      %dma_start3A_76 = arith.constant 0 : i32
      %dma_start3A_77 = tpu.memref_slice %dma_start3A_74[%dma_start3A_75, %dma_start3A_76] : memref<3200x16xf32, #tpu.memory_space<vmem>> -> memref<3200x16xf32, #tpu.memory_space<vmem>>
      %dma_start3A_78 = arith.constant 0 : i32
      %dma_start3A_79 = tpu.memref_slice %arg5[%rem3A_49, %dma_start3A_78] : memref<2x3200xi32, #tpu.memory_space<vmem>> -> memref<1x3200xi32, #tpu.memory_space<vmem>>
      %dma_start3A_80 = tpu.memref_squeeze %dma_start3A_79 : memref<1x3200xi32, #tpu.memory_space<vmem>> -> memref<3200xi32, #tpu.memory_space<vmem>>
      %dma_start3A_81 = arith.constant 0 : i32
      %dma_start3A_82 = tpu.memref_slice %dma_start3A_80[%dma_start3A_81] : memref<3200xi32, #tpu.memory_space<vmem>> -> memref<3200xi32, #tpu.memory_space<vmem>>
      %dma_start3A_83 = arith.constant 0 : i32
      %dma_start3A_84 = arith.constant 0 : i32
      %dma_start3A_85 = tpu.memref_slice %arg7[%dma_start3A_83, %dma_start3A_84] : memref<512x16xf32, #tpu.memory_space<vmem_shared>> -> memref<512x16xf32, #tpu.memory_space<vmem_shared>>
      tpu.enqueue_indirect_dma source(%dma_start3A_85 : memref<512x16xf32, #tpu.memory_space<vmem_shared>>) target(%dma_start3A_77 : memref<3200x16xf32, #tpu.memory_space<vmem>>) offsets(%dma_start3A_82 : memref<3200xi32, #tpu.memory_space<vmem>>) semaphore(%arg9 : memref<!tpu.dma_semaphore, #tpu.memory_space<semaphore_mem>>)
      %dma_wait3A_86 = arith.constant 0 : i32
      %dma_wait3A_87 = arith.constant 0 : i32
      %dma_wait3A_88 = tpu.memref_slice %arg6[%rem3A_49, %dma_wait3A_86, %dma_wait3A_87] : memref<2x3200x16xf32, #tpu.memory_space<vmem>> -> memref<1x3200x16xf32, #tpu.memory_space<vmem>>
      %dma_wait3A_89 = tpu.memref_squeeze %dma_wait3A_88 : memref<1x3200x16xf32, #tpu.memory_space<vmem>> -> memref<3200x16xf32, #tpu.memory_space<vmem>>
      %dma_wait3A_90 = arith.constant 0 : i32
      %dma_wait3A_91 = arith.constant 0 : i32
      %dma_wait3A_92 = tpu.memref_slice %dma_wait3A_89[%dma_wait3A_90, %dma_wait3A_91] : memref<3200x16xf32, #tpu.memory_space<vmem>> -> memref<3200x16xf32, #tpu.memory_space<vmem>>
      %dma_wait3A_93 = arith.constant 0 : i32
      %dma_wait3A_94 = tpu.memref_slice %arg5[%rem3A_49, %dma_wait3A_93] : memref<2x3200xi32, #tpu.memory_space<vmem>> -> memref<1x3200xi32, #tpu.memory_space<vmem>>
      %dma_wait3A_95 = tpu.memref_squeeze %dma_wait3A_94 : memref<1x3200xi32, #tpu.memory_space<vmem>> -> memref<3200xi32, #tpu.memory_space<vmem>>
      %dma_wait3A_96 = arith.constant 0 : i32
      %dma_wait3A_97 = tpu.memref_slice %dma_wait3A_95[%dma_wait3A_96] : memref<3200xi32, #tpu.memory_space<vmem>> -> memref<3200xi32, #tpu.memory_space<vmem>>
      %dma_wait3A_98 = arith.constant 0 : i32
      %dma_wait3A_99 = arith.constant 0 : i32
      %dma_wait3A_100 = tpu.memref_slice %arg7[%dma_wait3A_98, %dma_wait3A_99] : memref<512x16xf32, #tpu.memory_space<vmem_shared>> -> memref<512x16xf32, #tpu.memory_space<vmem_shared>>
      tpu.wait_indirect_dma semaphore(%arg9 : memref<!tpu.dma_semaphore, #tpu.memory_space<semaphore_mem>>) src(%dma_wait3A_100 : memref<512x16xf32, #tpu.memory_space<vmem_shared>>) dst(%dma_wait3A_92 : memref<3200x16xf32, #tpu.memory_space<vmem>>)
      %mul3A_101 = arith.constant 32 : i32
      %mul3A_102 = arith.muli %while3A_47, %mul3A_101 : i32
      %add3A_103 = arith.addi %add3A, %mul3A_102 : i32
      %mul3A_104 = arith.constant 3200 : i32
      %mul3A_105 = arith.muli %add3A_103, %mul3A_104 : i32
      %dma_start3A_106 = arith.constant 0 : i32
      %dma_start3A_107 = arith.constant 0 : i32
      %dma_start3A_108 = tpu.memref_slice %arg6[%rem3A_49, %dma_start3A_106, %dma_start3A_107] : memref<2x3200x16xf32, #tpu.memory_space<vmem>> -> memref<1x3200x16xf32, #tpu.memory_space<vmem>>
      %dma_start3A_109 = tpu.memref_squeeze %dma_start3A_108 : memref<1x3200x16xf32, #tpu.memory_space<vmem>> -> memref<3200x16xf32, #tpu.memory_space<vmem>>
      %dma_start3A_110 = arith.constant 0 : i32
      %dma_start3A_111 = tpu.memref_slice %arg4[%mul3A_105, %dma_start3A_110] : memref<3200000x16xf32, #tpu.memory_space<hbm>> -> memref<3200x16xf32, #tpu.memory_space<hbm>>
      %dma_start3A_112 = arith.constant 0 : i32
      %dma_start3A_113 = tpu.memref_slice %arg4[%mul3A_105, %dma_start3A_112] : memref<3200000x16xf32, #tpu.memory_space<hbm>> -> memref<3200x16xf32, #tpu.memory_space<hbm>>
      %dma_start3A_114 = arith.constant 0 : i32
      %dma_start3A_115 = arith.constant 0 : i32
      %dma_start3A_116 = tpu.memref_slice %arg6[%rem3A_49, %dma_start3A_114, %dma_start3A_115] : memref<2x3200x16xf32, #tpu.memory_space<vmem>> -> memref<1x3200x16xf32, #tpu.memory_space<vmem>>
      %dma_start3A_117 = tpu.memref_squeeze %dma_start3A_116 : memref<1x3200x16xf32, #tpu.memory_space<vmem>> -> memref<3200x16xf32, #tpu.memory_space<vmem>>
      tpu.enqueue_dma source(%dma_start3A_117 : memref<3200x16xf32, #tpu.memory_space<vmem>>) target(%dma_start3A_113 : memref<3200x16xf32, #tpu.memory_space<hbm>>) target_semaphore(%arg10 : memref<!tpu.dma_semaphore, #tpu.memory_space<semaphore_mem>>)
    }
    %ge3A = arith.constant 1 : i32
    %ge3A_38 = arith.cmpi sge, %select_n3A, %ge3A : i32
    %convert_element_type3A_39 = arith.extui %ge3A_38 : i1 to i32
    %cond3A_40 = arith.constant 0 : i32
    %cond3A_41 = arith.cmpi ne, %convert_element_type3A_39, %cond3A_40 : i32
    scf.if %cond3A_41 {
      %add3A_47 = arith.constant 0 : i32
      %add3A_48 = arith.addi %add3A, %add3A_47 : i32
      %mul3A_49 = arith.constant 3200 : i32
      %mul3A_50 = arith.muli %add3A_48, %mul3A_49 : i32
      %dma_wait3A = arith.constant 0 : i32
      %dma_wait3A_51 = arith.constant 0 : i32
      %dma_wait3A_52 = arith.constant 0 : i32
      %dma_wait3A_53 = tpu.memref_slice %arg6[%dma_wait3A, %dma_wait3A_51, %dma_wait3A_52] : memref<2x3200x16xf32, #tpu.memory_space<vmem>> -> memref<1x3200x16xf32, #tpu.memory_space<vmem>>
      %dma_wait3A_54 = tpu.memref_squeeze %dma_wait3A_53 : memref<1x3200x16xf32, #tpu.memory_space<vmem>> -> memref<3200x16xf32, #tpu.memory_space<vmem>>
      %dma_wait3A_55 = arith.constant 0 : i32
      %dma_wait3A_56 = tpu.memref_slice %arg4[%mul3A_50, %dma_wait3A_55] : memref<3200000x16xf32, #tpu.memory_space<hbm>> -> memref<3200x16xf32, #tpu.memory_space<hbm>>
      %dma_wait3A_57 = arith.constant 0 : i32
      %dma_wait3A_58 = tpu.memref_slice %arg4[%mul3A_50, %dma_wait3A_57] : memref<3200000x16xf32, #tpu.memory_space<hbm>> -> memref<3200x16xf32, #tpu.memory_space<hbm>>
      %dma_wait3A_59 = arith.constant 0 : i32
      %dma_wait3A_60 = arith.constant 0 : i32
      %dma_wait3A_61 = tpu.memref_slice %arg6[%dma_wait3A, %dma_wait3A_59, %dma_wait3A_60] : memref<2x3200x16xf32, #tpu.memory_space<vmem>> -> memref<1x3200x16xf32, #tpu.memory_space<vmem>>
      %dma_wait3A_62 = tpu.memref_squeeze %dma_wait3A_61 : memref<1x3200x16xf32, #tpu.memory_space<vmem>> -> memref<3200x16xf32, #tpu.memory_space<vmem>>
      tpu.wait_dma2 semaphore(%arg10 : memref<!tpu.dma_semaphore, #tpu.memory_space<semaphore_mem>>) src(%dma_wait3A_62 : memref<3200x16xf32, #tpu.memory_space<vmem>>) dst(%dma_wait3A_58 : memref<3200x16xf32, #tpu.memory_space<hbm>>)
    } else {
    }
    %ge3A_42 = arith.constant 2 : i32
    %ge3A_43 = arith.cmpi sge, %select_n3A, %ge3A_42 : i32
    %convert_element_type3A_44 = arith.extui %ge3A_43 : i1 to i32
    %cond3A_45 = arith.constant 0 : i32
    %cond3A_46 = arith.cmpi ne, %convert_element_type3A_44, %cond3A_45 : i32
    scf.if %cond3A_46 {
      %add3A_47 = arith.constant 0 : i32
      %add3A_48 = arith.addi %add3A, %add3A_47 : i32
      %mul3A_49 = arith.constant 3200 : i32
      %mul3A_50 = arith.muli %add3A_48, %mul3A_49 : i32
      %dma_wait3A = arith.constant 1 : i32
      %dma_wait3A_51 = arith.constant 0 : i32
      %dma_wait3A_52 = arith.constant 0 : i32
      %dma_wait3A_53 = tpu.memref_slice %arg6[%dma_wait3A, %dma_wait3A_51, %dma_wait3A_52] : memref<2x3200x16xf32, #tpu.memory_space<vmem>> -> memref<1x3200x16xf32, #tpu.memory_space<vmem>>
      %dma_wait3A_54 = tpu.memref_squeeze %dma_wait3A_53 : memref<1x3200x16xf32, #tpu.memory_space<vmem>> -> memref<3200x16xf32, #tpu.memory_space<vmem>>
      %dma_wait3A_55 = arith.constant 0 : i32
      %dma_wait3A_56 = tpu.memref_slice %arg4[%mul3A_50, %dma_wait3A_55] : memref<3200000x16xf32, #tpu.memory_space<hbm>> -> memref<3200x16xf32, #tpu.memory_space<hbm>>
      %dma_wait3A_57 = arith.constant 0 : i32
      %dma_wait3A_58 = tpu.memref_slice %arg4[%mul3A_50, %dma_wait3A_57] : memref<3200000x16xf32, #tpu.memory_space<hbm>> -> memref<3200x16xf32, #tpu.memory_space<hbm>>
      %dma_wait3A_59 = arith.constant 0 : i32
      %dma_wait3A_60 = arith.constant 0 : i32
      %dma_wait3A_61 = tpu.memref_slice %arg6[%dma_wait3A, %dma_wait3A_59, %dma_wait3A_60] : memref<2x3200x16xf32, #tpu.memory_space<vmem>> -> memref<1x3200x16xf32, #tpu.memory_space<vmem>>
      %dma_wait3A_62 = tpu.memref_squeeze %dma_wait3A_61 : memref<1x3200x16xf32, #tpu.memory_space<vmem>> -> memref<3200x16xf32, #tpu.memory_space<vmem>>
      tpu.wait_dma2 semaphore(%arg10 : memref<!tpu.dma_semaphore, #tpu.memory_space<semaphore_mem>>) src(%dma_wait3A_62 : memref<3200x16xf32, #tpu.memory_space<vmem>>) dst(%dma_wait3A_58 : memref<3200x16xf32, #tpu.memory_space<hbm>>)
    } else {
    }
    return
  }
}

module attributes {stable_mosaic.version = 14 : i64} {
  func.func @_combine_body(%arg0: memref<8x16xf32, #tpu.memory_space<vmem>>, %arg1: memref<8x16xf32, #tpu.memory_space<vmem>>, %arg2: memref<8x16xf32, #tpu.memory_space<vmem>>, %arg3: memref<512x16xf32, #tpu.memory_space<vmem>>) attributes {dimension_semantics = [], scalar_prefetch = 0 : i64, scratch_operands = 0 : i64, tpu.core_type = #tpu.core_type<tc>} {
    %get3A = arith.constant 0 : index
    %get3A_0 = arith.constant 0 : index
    %get3A_1 = vector.load %arg0[%get3A, %get3A_0] : memref<8x16xf32, #tpu.memory_space<vmem>>, vector<8x16xf32>
    %get3A_2 = arith.constant 0 : index
    %get3A_3 = arith.constant 0 : index
    %get3A_4 = vector.load %arg1[%get3A_2, %get3A_3] : memref<8x16xf32, #tpu.memory_space<vmem>>, vector<8x16xf32>
    %get3A_5 = arith.constant 0 : index
    %get3A_6 = arith.constant 0 : index
    %get3A_7 = vector.load %arg2[%get3A_5, %get3A_6] : memref<8x16xf32, #tpu.memory_space<vmem>>, vector<8x16xf32>
    %broadcast_in_dim3A = vector.shape_cast %get3A_1 : vector<8x16xf32> to vector<8x1x1x16xf32>
    %broadcast_in_dim3A_8 = vector.shape_cast %get3A_4 : vector<8x16xf32> to vector<1x8x1x16xf32>
    %add3A = vector.broadcast %broadcast_in_dim3A : vector<8x1x1x16xf32> to vector<8x8x1x16xf32>
    %add3A_9 = vector.broadcast %broadcast_in_dim3A_8 : vector<1x8x1x16xf32> to vector<8x8x1x16xf32>
    %add3A_10 = arith.addf %add3A, %add3A_9 : vector<8x8x1x16xf32>
    %broadcast_in_dim3A_11 = vector.shape_cast %get3A_7 : vector<8x16xf32> to vector<1x1x8x16xf32>
    %add3A_12 = vector.broadcast %add3A_10 : vector<8x8x1x16xf32> to vector<8x8x8x16xf32>
    %add3A_13 = vector.broadcast %broadcast_in_dim3A_11 : vector<1x1x8x16xf32> to vector<8x8x8x16xf32>
    %add3A_14 = arith.addf %add3A_12, %add3A_13 : vector<8x8x8x16xf32>
    %reshape3A = vector.shape_cast %add3A_14 : vector<8x8x8x16xf32> to vector<512x16xf32>
    %swap3A = arith.constant 0 : index
    %swap3A_15 = arith.constant 0 : index
    %swap3A_16 = vector.load %arg3[%swap3A, %swap3A_15] : memref<512x16xf32, #tpu.memory_space<vmem>>, vector<512x16xf32>
    tpu.vector_store %arg3[%swap3A, %swap3A_15], %reshape3A {strides = array<i32>} : memref<512x16xf32, #tpu.memory_space<vmem>>, vector<512x16xf32>,
    return
  }
}

module attributes {stable_mosaic.version = 14 : i64} {
  func.func @_pack_body(%arg0: i32, %arg1: memref<3x128000xi32, #tpu.memory_space<vmem>>, %arg2: memref<1000x128xi32, #tpu.memory_space<vmem>>) attributes {dimension_semantics = [#tpu.dimension_semantics<arbitrary>], iteration_bounds = array<i64: 25>, scalar_prefetch = 0 : i64, scratch_operands = 0 : i64, tpu.core_type = #tpu.core_type<tc>, window_params = [{transform_indices = @transform_0, window_bounds = array<i64: 3, 128000>}, {transform_indices = @transform_1, window_bounds = array<i64: 1000, 128>}]} {
    %get3A = arith.constant 0 : index
    %get3A_0 = arith.constant 0 : index
    %get3A_1 = vector.load %arg1[%get3A, %get3A_0] : memref<3x128000xi32, #tpu.memory_space<vmem>>, vector<3x128000xi32>
    %slice3A = vector.extract_strided_slice %get3A_1 {offsets = [0, 0], sizes = [1, 128000], strides = [1, 1]} : vector<3x128000xi32> to vector<1x128000xi32>
    %squeeze3A = vector.shape_cast %slice3A : vector<1x128000xi32> to vector<128000xi32>
    %mul3A = arith.constant 64 : i32
    %mul3A_2 = vector.broadcast %mul3A : i32 to vector<128000xi32>
    %mul3A_3 = arith.muli %squeeze3A, %mul3A_2 : vector<128000xi32>
    %slice3A_4 = vector.extract_strided_slice %get3A_1 {offsets = [1, 0], sizes = [1, 128000], strides = [1, 1]} : vector<3x128000xi32> to vector<1x128000xi32>
    %squeeze3A_5 = vector.shape_cast %slice3A_4 : vector<1x128000xi32> to vector<128000xi32>
    %mul3A_6 = arith.constant 8 : i32
    %mul3A_7 = vector.broadcast %mul3A_6 : i32 to vector<128000xi32>
    %mul3A_8 = arith.muli %squeeze3A_5, %mul3A_7 : vector<128000xi32>
    %add3A = arith.addi %mul3A_3, %mul3A_8 : vector<128000xi32>
    %slice3A_9 = vector.extract_strided_slice %get3A_1 {offsets = [2, 0], sizes = [1, 128000], strides = [1, 1]} : vector<3x128000xi32> to vector<1x128000xi32>
    %squeeze3A_10 = vector.shape_cast %slice3A_9 : vector<1x128000xi32> to vector<128000xi32>
    %add3A_11 = arith.addi %add3A, %squeeze3A_10 : vector<128000xi32>
    %reshape3A = vector.shape_cast %add3A_11 : vector<128000xi32> to vector<1000x128xi32>
    %swap3A = arith.constant 0 : index
    %swap3A_12 = arith.constant 0 : index
    %swap3A_13 = vector.load %arg2[%swap3A, %swap3A_12] : memref<1000x128xi32, #tpu.memory_space<vmem>>, vector<1000x128xi32>
    tpu.vector_store %arg2[%swap3A, %swap3A_12], %reshape3A {strides = array<i32>} : memref<1000x128xi32, #tpu.memory_space<vmem>>, vector<1000x128xi32>,
    return
  }
  func.func @transform_0(%arg0: i32) -> (i32, i32) {
    %c0_i32 = arith.constant 0 : i32
    %c0_i32_0 = arith.constant 0 : i32
    return %c0_i32, %arg0 : i32, i32
  }
  func.func @transform_1(%arg0: i32) -> (i32, i32) {
    %c0_i32 = arith.constant 0 : i32
    %c0_i32_0 = arith.constant 0 : i32
    return %arg0, %c0_i32 : i32, i32
  }
}

</mosaic_0001>

<sc_bundles>
// kernel: kernel.5.cloned.1.call-start
scs
__scs_entry_jumppad:
0x0: {  	(pc) =	sbr.rel $0x88, $3  }
0x1: {  	(tag) =	ssettag $0x0;
	lr =	simm.s32 $0x1  }
0x2: {  	[smem:$0x3F9D] =	sst lr;
	_ =	strace $0xD0000000  }
0x3: {  	_ = 	snop  }
0x4: {  	_ = 	snop  }
0x5: {  	_ = 	snop  }
0x6: {  	_ = 	snop  }
0x7: {  	_ = 	snop  }
__scs_overlays_trampoline_lowered:
0x8: {  	[smem:$0x3FAC] =	sst s0  }
0x9: {  	[smem:$0x3FAD] =	sst s1  }
0xa: {  	[smem:$0x3FAE] =	sst s2  }
0xb: {  	[smem:$0x3FAF] =	sst s3  }
0xc: {  	[smem:$0x3FB0] =	sst s4  }
0xd: {  	[smem:$0x3FB1] =	sst s5  }
0xe: {  	[smem:$0x3FB2] =	sst s6  }
0xf: {  	[smem:$0x3FB3] =	sst s7  }
0x10: {  	[smem:$0x3FB4] =	sst s8  }
0x11: {  	[smem:$0x3FB5] =	sst s9;
	s0 =	simm.s32 @!p0 $0x0  }
0x12: {  	s1 =	sld [smem:$0x3F9B];
	s0 =	simm.s32 @p0 $0x1  }
0x13: {  	[smem:$0x3FB6] =	sst s0;
	s0 =	simm.s32 @!p1 $0x0  }
0x14: {  	s2 =	sld [smem:$0x3F9A];
	s0 =	simm.s32 @p1 $0x1  }
0x15: {  	[smem:$0x3FB7] =	sst s0;
	s0 =	simm.s32 @!p2 $0x0  }
0x16: {  	s3 =	sld [smem:$0x3FDB];
	s0 =	simm.s32 @p2 $0x1  }
0x17: {  	s4 =	simm.s32 $0x1BF5;
	[smem:$0x3FB9] =	sst s0  }
0x18: {  	s0 =	sld [smem:$0x3F9C];
	_ =	swait.ge [sflag:s4], $0x0  }
0x19: {  	s7 =	sld [smem:$0x3F9D]  }
0x1a: {  	s8 =	sadd.s32 $0xFFFFE003, lr  }
0x1b: {  	s9 =	sadd.s32 $0xFFFFFEF7, lr;
	s5 =	simm.s32 $0xFFFFFFFF;
	p2 =	slt.u32 s8, $0xFFFFF086  }
0x1c: {  	p1 =	slt.u32 s9, $0xF7A;
	s5 =	simm.s32 @!p2 $0x0  }
0x1d: {  	s5 =	simm.s32 @p1 $0x1;
	p0 =	seq.s32 s7, s2  }
0x1e: {  	s7 =	smul.u32 @!p0 $0xF7A, s2;
	p2 =	seq.s32 @!p0 s5, $0x0  }
0x1f: {  	s9 =	smul.u32 $0xF7A, s1;
	s8 =	simm.s32 @!p0 $0x1BF5;
	p2 =	por !p2, p0  }
0x20: {  	[sflag:s8] =	ssyncset.s32 @!p0 $0xFFFFF086;
	s6 =	sadd.s32 @!p0 s3, s7;
	s7 =	simm.s32 @!p0 $0x108  }
0x21: {  	s3 =	sadd.s32 s3, s9;
	s6 =	sadd.s32 @!p0 $0x88, s6;
	s7 =	simm.s32 @p2 $0x1082  }
0x22: {  	[simem:s7], [sflag:s8] =	dma.local @!p0 [hbm:s6], $0xF7A  }
0x23: {  	s9 =	sor.u32 $0xD0000000, s2;
	s6 =	simm.s32 $0x108;
	_ =	swait.ge @!p0 [sflag:s8], $0x0  }
0x24: {  	s3 =	sadd.s32 $0x88, s3;
	s6 =	simm.s32 @!p1 $0x1082;
	[sflag:s4] =	ssyncset.s32 $0xFFFFF086  }
0x25: {  	[simem:s6], [sflag:s4] =	dma.local [hbm:s3], $0xF7A  }
0x26: {  	[smem:$0x3F9D] =	sst s1;
	(tag) =	ssettag s2;
	_ =	strace s9  }
0x27: {  	s1 =	sld [smem:$0x3FAD]  }
0x28: {  	s2 =	sld [smem:$0x3FAE]  }
0x29: {  	s4 =	sld [smem:$0x3FB0]  }
0x2a: {  	p0 =	seq.s32 s5, $0x0;
	s5 =	sld [smem:$0x3FB1]  }
0x2b: {  	s6 =	sld [smem:$0x3FB2]  }
0x2c: {  	s7 =	sld [smem:$0x3FB3]  }
0x2d: {  	s3 =	simm.s32 $0x108;
	s8 =	sld [smem:$0x3FB4]  }
0x2e: {  	s3 =	simm.s32 @!p0 $0x1082;
	s9 =	sld [smem:$0x3FB5]  }
0x2f: {  	lr =	sadd.s32 s0, s3;
	s0 =	sld [smem:$0x3FAC]  }
0x30: {  	s3 =	sld [smem:$0x3FAF]  }
0x31: {  	[smem:$0x3FB8] =	sst s10  }
0x32: {  	s10 =	sld [smem:$0x3FB6];
	_ =	sdelay $0x3  }
0x33: {  	p0 =	seq.s32 s10, $0x1;
	s10 =	sld [smem:$0x3FB8];
	_ =	sdelay $0x3  }
0x34: {  	[smem:$0x3FB8] =	sst s10  }
0x35: {  	s10 =	sld [smem:$0x3FB7];
	_ =	sdelay $0x3  }
0x36: {  	p1 =	seq.s32 s10, $0x1;
	s10 =	sld [smem:$0x3FB8];
	_ =	sdelay $0x3  }
0x37: {  	[smem:$0x3FB8] =	sst s10  }
0x38: {  	s10 =	sld [smem:$0x3FB9]  }
0x39: {  	_ = 	snop;
	(pc) =	sbr.ind lr, $3  }
0x3a: {  	_ = 	snop  }
0x3b: {  	_ = 	snop  }
0x3c: {  	p2 =	seq.s32 s10, $0x1;
	s10 =	sld [smem:$0x3FB8]  }
0x3d: {  	_ =	shalt  }
0x3e: {  	_ =	shalt  }
0x3f: {  	_ =	shalt  }
0x40: {  	_ =	shalt  }
0x41: {  	_ =	shalt  }
0x42: {  	_ =	shalt  }
0x43: {  	_ =	shalt  }
0x44: {  	_ =	shalt  }
0x45: {  	_ =	shalt  }
0x46: {  	_ =	shalt  }
0x47: {  	_ =	shalt  }
0x48: {  	_ =	shalt  }
0x49: {  	_ =	shalt  }
0x4a: {  	_ =	shalt  }
0x4b: {  	_ =	shalt  }
0x4c: {  	_ =	shalt  }
0x4d: {  	_ =	shalt  }
0x4e: {  	_ =	shalt  }
0x4f: {  	_ =	shalt  }
0x50: {  	_ =	shalt  }
0x51: {  	_ =	shalt  }
0x52: {  	_ =	shalt  }
0x53: {  	_ =	shalt  }
0x54: {  	_ =	shalt  }
0x55: {  	_ =	shalt  }
0x56: {  	_ =	shalt  }
0x57: {  	_ =	shalt  }
0x58: {  	_ =	shalt  }
0x59: {  	_ =	shalt  }
0x5a: {  	_ =	shalt  }
0x5b: {  	_ =	shalt  }
0x5c: {  	_ =	shalt  }
0x5d: {  	_ =	shalt  }
0x5e: {  	_ =	shalt  }
0x5f: {  	_ =	shalt  }
0x60: {  	_ =	shalt  }
0x61: {  	_ =	shalt  }
0x62: {  	_ =	shalt  }
0x63: {  	_ =	shalt  }
0x64: {  	_ =	shalt  }
0x65: {  	_ =	shalt  }
0x66: {  	_ =	shalt  }
0x67: {  	_ =	shalt  }
0x68: {  	_ =	shalt  }
0x69: {  	_ =	shalt  }
0x6a: {  	_ =	shalt  }
0x6b: {  	_ =	shalt  }
0x6c: {  	_ =	shalt  }
0x6d: {  	_ =	shalt  }
0x6e: {  	_ =	shalt  }
0x6f: {  	_ =	shalt  }
0x70: {  	_ =	shalt  }
0x71: {  	_ =	shalt  }
0x72: {  	_ =	shalt  }
0x73: {  	_ =	shalt  }
0x74: {  	_ =	shalt  }
0x75: {  	_ =	shalt  }
0x76: {  	_ =	shalt  }
0x77: {  	_ =	shalt  }
0x78: {  	_ =	shalt  }
0x79: {  	_ =	shalt  }
0x7a: {  	_ =	shalt  }
0x7b: {  	_ =	shalt  }
0x7c: {  	_ =	shalt  }
0x7d: {  	_ =	shalt  }
0x7e: {  	_ =	shalt  }
0x7f: {  	_ =	shalt  }
0x80: {  	_ =	shalt  }
0x81: {  	_ =	shalt  }
0x82: {  	_ =	shalt  }
0x83: {  	_ =	shalt  }
0x84: {  	_ =	shalt  }
0x85: {  	_ =	shalt  }
0x86: {  	_ =	shalt  }
0x87: {  	_ =	shalt  }
.Lfunc_end0:
.L_simem_size_0:
called_computation.1_lowered:
.L_overlay_start_0:
0x88: {  	s2 =	sld [smem:$0x3FD9]  }
0x89: {  	s3 =	sld [smem:$0x3FFE];
	_ =	sdelay $0x1  }
0x8a: {  	s1 =	srdreg.scid  }
0x8b: {  	s0 =	sand.u32 $0x1, s1  }
0x8c: {  	s17 =	sshll.u32 s0, $0xA;
	s2 =	sadd.s32 s3, s2  }
0x8d: {  	s2 =	sadd.s32 s2, s17  }
0x8e: {  	[smem:$0x3FC4] =	sst s2  }
0x8f: {  	_ = 	snop  }
0x90: {  	s2 =	sld [smem:$0x3FD0];
	(tm) =	ssettm $0x1  }
0x91: {  	s18 =	sld [smem:$0x3FFB];
	_ =	sdelay $0x3  }
0x92: {  	_ =	strace s18  }
0x93: {  	s3 =	sld [smem:$0x3FFC];
	_ =	sdelay $0x3  }
0x94: {  	_ =	strace s3  }
0x95: {  	s3 =	sld [smem:$0x3FFD];
	_ =	sdelay $0x3  }
0x96: {  	_ =	strace s3  }
0x97: {  	_ =	strace $0x8FFFFFFF  }
0x98: {  	s19 =	sld [smem:$0x3FDB];
	_ =	sdelay $0x1  }
0x99: {  	s4 =	simm.s32 $_scs_section_size  }
0x9a: {  	s5 =	simm.s32 $_size__tile_overlayer_lowered;
	s6 =	simm.s32 $_tile_overlayer_lowered  }
0x9b: {  	s22 =	simm.s32 $0x1BFF;
	s21 =	sshll.u32 s6, $0x1;
	s3 =	sadd.s32 s4, s19  }
0x9c: {  	s7 =	simm.s32 $0x0;
	s20 =	sshll.u32 s5, $0x1;
	s5 =	sadd.s32 s21, s3  }
0x9d: {  	[timem:s7], [sflag:s22] =	dma.local [hbm:s5], s20  }
0x9e: {  	_ =	swait.ge [sflag:s22], s20  }
0x9f: {  	s4 =	ssub.s32 $0x0, s20;
	[sflag:s22] =	ssyncset.done $0x0  }
0xa0: {  	[sflag:s22] =	ssyncadd.s32 s4;
	_ =	sdelay $0x1  }
0xa1: {  	s23 =	simm.s32 $0x1B8B  }
0xa2: {  	_ =	swait.ge [sflag:s23], $0x1  }
0xa3: {  	[sflag:s23] =	ssyncset.done $0x0  }
0xa4: {  	s25 =	simm.s32 $0x1B8E;
	s24 =	sld [smem:$0x3FFE];
	[sflag:s23] =	ssyncadd.s32 $0xFFFFFFFF  }
0xa5: {  	s26 =	simm.s32 $execute0_lowered;
	[smem:$0x3FD2] =	sst s25  }
0xa6: {  	s5 =	sshll.u32 s26, $0x1;
	_ =	strace $0x80000046;
	[dreg:$0x1] =	wrdreg $0xFFFFFFFF  }
0xa7: {  	s28 =	simm.s32 $_size_execute0_lowered;
	s3 =	sadd.s32 s3, s5;
	[dreg:$0x0] =	wrdreg $0x0  }
0xa8: {  	s5 =	sshll.u32 s28, $0x1;
	[dreg:$0x2] =	wrdreg s3  }
0xa9: {  	[dreg:$0x3] =	wrdreg s5  }
0xaa: {  	[dreg:$0x4] =	wrdreg $0xC0  }
0xab: {  	_ =	task [dreg:s7], $0x5FFFF  }
0xac: {  	[dreg:$0x1] =	wrdreg $0xFFFFFFFF  }
0xad: {  	[dreg:$0x0] =	wrdreg $0x60  }
0xae: {  	[dreg:$0x2] =	wrdreg s24  }
0xaf: {  	[dreg:$0x3] =	wrdreg s2  }
0xb0: {  	[dreg:$0x4] =	wrdreg $0x1A9000  }
0xb1: {  	[dreg:$0x5] =	wrdreg $0x9  }
0xb2: {  	_ =	task.clear_ibuf [dreg:s7], $0x6FFFF;
	_ =	strace $0x90000046  }
0xb3: {  	s29 =	simm.s32 $0x9;
	_ =	strace $0x80000048  }
0xb4: {  	_ =	swait.ge [sflag:s29], $0x1  }
0xb5: {  	[sflag:s29] =	ssyncadd.s32 $0xFFFFFFFF  }
0xb6: {  	_ =	strace $0x90000048  }
0xb7: {  	_ =	sfence  }
0xb8: {  	s30 =	sld [smem:$0x0];
	_ =	sdelay $0x2  }
0xb9: {  	s31 =	sshll.u32 s1, $0xD;
	s1 =	sshrl.u32 s1, $0x2  }
0xba: {  	s3 =	sand.u32 $0x4000, s31;
	s1 =	sadd.s32 s1, s30  }
0xbb: {  	s0 =	sor.u32 s3, s0;
	s1 =	sshll.u32 s1, $0x11  }
0xbc: {  	s0 =	sor.u32 s1, s0  }
0xbd: {  	s0 =	sadd.s32 $0x8F2B, s0  }
0xbe: {  	[sflag:s0] =	ssyncadd.remote.s32 $0x1  }
0xbf: {  	_ =	sfence.sel $0xFFFF  }
0xc0: {  	[dreg:$0x0] =	wrdreg $0xFFFFFFFF;
	(pc) =	sbr.abs _section_cstart, $3  }
0xc1: {  	[dreg:$0x1] =	wrdreg $0xFFFFFFFF  }
0xc2: {  	_ =	task.clear_ibuf [dreg:s7], $0x2FFFF;
	_ =	strace $0x9FFFFFFF  }
0xc3: {  	(tm) =	ssettm $0x7FFFFFFF  }
tec
execute0_lowered:
.L_overlay_start_1:
0x0: {  	(tag) =	ssettag $0x1  }
0x1: {  	s4 =	rddreg [dreg:$0x0]  }
0x2: {  	s1 =	rddreg [dreg:$0x1]  }
0x3: {  	s2 =	rddreg [dreg:$0x2]  }
0x4: {  	s0 =	rddreg [dreg:$0x3];
	s3 =	simm.s32 $0x0;
	s5 =	srdreg.scid  }
0x5: {  	s13 =	stileid.u32;
	s17 =	simm.s32 $0x1900;
	s18 =	simm.s32 $0xE100  }
0x6: {  	s19 =	simm.s32 $0x3;
	s20 =	simm.s32 $0x2;
	s21 =	simm.s32 $0x0  }
0x7: {  	s9 =	sand.u32 $0x1, s5;
	s25 =	sshll.u32 s13, $0x1;
	s15 =	smul.u32 $0x320, s13  }
0x8: {  	[smem:$0x7FF] =	sst s3;
	s6 =	sor.u32 s9, s25;
	s16 =	smul.u32 $0x190, s9  }
0x9: {  	s10 =	sadd.s32 $0x1400, s4;
	s4 =	sadd.s32 $0x1000, s4;
	s7 =	smul.u32 $0x190, s6  }
0xa: {  	p0 =	sne.s32 s13, $0x0;
	s26 =	ssub.s32 $0x2, s9;
	s11 =	smul.u32 $0xC80, s6  }
0xb: {  	_ =	strace $0x80000047;
	s8 =	sshrl.u32 s26, $0x1;
	s12 =	smul.u32 $0x1900, s6  }
0xc: {  	s28 =	ssub.s32 $0x407, s6;
	s14 =	smul.u32 $0xC800, s6;
	s15 =	sadd.s32 s15, s10  }
0xd: {  	s8 =	ssub.s32 s26, s8;
	s5 =	sshrl.u32 s28, $0x5;
	s31 =	sadd.s32 s16, s15  }
0xe: {  	s15 =	simm.s32 $0x1;
	s16 =	simm.s32 $0xC80;
	s11 =	sshrl.u32 s11, $0x3  }
0xf: {  	s6 =	sadd.s32 s10, s7;
	s7 =	smax.u32 s8, $0x1;
	s9 =	sadd.s32 s1, s12  }
0x10: {  	s29 =	sshrl.u32 s14, $0x3;
	s12 =	sadd.s32 $0x9600, s31;
	s13 =	sadd.s32 $0x320000, s14  }
0x11: {  	s14 =	sshrl.u32 @!p0 s2, $0x3;
	s11 =	sadd.s32 s10, s11;
	s30 =	sadd.s32 s1, s29  }
0x12: {  	s8 =	sadd.s32 $0x3200, s11;
	s10 =	sadd.s32 $0x6400, s11;
	s11 =	sadd.s32 $0x32000, s30  }
.LBB2_1:
0x13: {  	s22 =	simm.s32 @!p0 $0x1C04  }
0x14: {  	[spmem:s14], [sflag:s22] =	dma.local @!p0 [hbm:s4], $0x400  }
0x15: {  	s22 =	simm.s32 @!p0 $0x4  }
0x16: {  	_ =	swait.ge @!p0 [sflag:s22], $0x400  }
0x17: {  	[sflag:s22] =	ssyncset.done @!p0 $0x0  }
0x18: {  	[sflag:s22] =	ssyncadd.s32 @!p0 $0xFFFFFC00  }
0x19: {  	[bflag:$0x0] =	sbarrier.arrive $0xFFFF  }
0x1a: {  	[tilespmem:s3], [sflag:$0x1] =	stream.linear.gather [hbm4b:s6+s3], $0xC80, $0x38;
	[tilespmem:$0x1AB00] =	vst v63  }
0x1b: {  	_ =	swait.ge [sflag:s15], $0xC80  }
0x1c: {  	[sflag:s15] =	ssyncset.done $0x0  }
0x1d: {  	[sflag:s15] =	ssyncadd.s32 $0xFFFFF380  }
0x1e: {  	[tilespmem:s16], [sflag:$0x1] =	stream.linear.gather [hbm4b:s8+s3], $0xC80, $0x38;
	[tilespmem:$0x1AB00] =	vst v63  }
0x1f: {  	_ = 	snop  }
0x20: {  	[tilespmem:s17], [sflag:$0x2] =	stream.indirect.gather [spmem:s2], $0x10, s3, s16, $0xb8;
	[tilespmem:$0x1AB00] =	vst v63  }
0x21: {  	_ =	swait.ge [sflag:s20], $0xC800  }
0x22: {  	[sflag:s20] =	ssyncset.done $0x0  }
0x23: {  	[sflag:s20] =	ssyncadd.s32 $0xFFFF3800  }
0x24: {  	[hbm4b:s9+s3] =	stream.linear.scatter [tilespmem:s17], [sflag:$0x3], $0xC800, $0x38;
	[tilespmem:$0x1AB00] =	vst v63  }
0x25: {  	_ =	swait.ge [sflag:s15], $0xC80  }
0x26: {  	[sflag:s15] =	ssyncset.done $0x0  }
0x27: {  	[sflag:s15] =	ssyncadd.s32 $0xFFFFF380  }
0x28: {  	[tilespmem:s3], [sflag:$0x1] =	stream.linear.gather [hbm4b:s10+s3], $0xC80, $0x38;
	[tilespmem:$0x1AB00] =	vst v63  }
0x29: {  	_ = 	snop  }
0x2a: {  	[tilespmem:s18], [sflag:$0x2] =	stream.indirect.gather [spmem:s2], $0x10, s16, s16, $0xb8;
	[tilespmem:$0x1AB00] =	vst v63  }
0x2b: {  	_ =	swait.ge [sflag:s20], $0xC800  }
0x2c: {  	[sflag:s20] =	ssyncset.done $0x0  }
0x2d: {  	[sflag:s20] =	ssyncadd.s32 $0xFFFF3800  }
0x2e: {  	[hbm4b:s11+s3] =	stream.linear.scatter [tilespmem:s18], [sflag:$0x3], $0xC800, $0x38;
	[tilespmem:$0x1AB00] =	vst v63  }
0x2f: {  	_ =	swait.ge [sflag:s19], $0xC800  }
0x30: {  	p1 =	sle.u32 s5, $0x3;
	s22 =	sand.u32 $0x1, s20;
	[sflag:s19] =	ssyncset.done $0x0  }
0x31: {  	s23 =	sxor.u32 @!p1 $0x1, s22;
	[sflag:s19] =	ssyncadd.s32 $0xFFFF3800  }
0x32: {  	s23 =	smul.u32 @!p1 $0x3200, s23;
	_ =	swait.ge [sflag:s15], $0xC80  }
0x33: {  	s25 =	simm.s32 @!p1 $0x0;
	s24 =	smul.u32 $0x32000, s22;
	[sflag:s15] =	ssyncset.done $0x0  }
0x34: {  	s22 =	smul.u32 $0x3200, s22;
	s23 =	sshrl.u32 @!p1 s23, $0x2;
	[sflag:s15] =	ssyncadd.s32 $0xFFFFF380  }
0x35: {  	[tilespmem:s23], [sflag:$0x1] =	stream.linear.gather @!p1 [hbm4b:s12+s25], $0xC80, $0x38;
	[tilespmem:$0x1AB00] =	vst v63  }
0x36: {  	s24 =	sshrl.u32 s24, $0x2;
	p1 =	sne.s32 s5, $0x3  }
.Ltmp0:
0x37: {  	s22 =	sshrl.u32 s22, $0x2;
	s25 =	sadd.s32 $0x1900, s24;
	(pc) =	sbr.rel @!p1 .LBB2_3-.Ltmp0, $4  }
0x38: {  	[tilespmem:s25], [sflag:$0x2] =	stream.indirect.gather [spmem:s2], $0x10, s22, s16, $0xb8;
	[tilespmem:$0x1AB00] =	vst v63  }
0x39: {  	s31 =	sshrl.u32 s13, $0x3;
	_ =	swait.ge [sflag:s20], $0xC800  }
0x3a: {  	s26 =	sadd.s32 s1, s31;
	s23 =	sadd.s32 $0x190000, s13;
	[sflag:s20] =	ssyncset.done $0x0  }
0x3b: {  	s24 =	sadd.s32 $0x3200, s12;
	s22 =	simm.s32 $0x3;
	[sflag:s20] =	ssyncadd.s32 $0xFFFF3800  }
.LBB2_2:
0x3c: {  	[hbm4b:s26+s3] =	stream.linear.scatter [tilespmem:s25], [sflag:$0x3], $0xC800, $0x38;
	[tilespmem:$0x1AB00] =	vst v63  }
0x3d: {  	s25 =	smov.u32 s22;
	s22 =	sadd.s32 $0x1, s22;
	_ =	swait.ge [sflag:s19], $0xC800  }
0x3e: {  	s25 =	sand.u32 $0x1, s25;
	p2 =	sge.u32 s22, s5;
	[sflag:s19] =	ssyncset.done $0x0  }
0x3f: {  	s26 =	sxor.u32 @!p2 $0x1, s25;
	s28 =	smul.u32 $0x32000, s25;
	[sflag:s19] =	ssyncadd.s32 $0xFFFF3800  }
0x40: {  	p1 =	sne.s32 s5, s22;
	s26 =	smul.u32 @!p2 $0x3200, s26;
	_ =	swait.ge [sflag:s15], $0xC80  }
0x41: {  	s25 =	smul.u32 $0x3200, s25;
	s28 =	sshrl.u32 s28, $0x2;
	[sflag:s15] =	ssyncset.done $0x0  }
0x42: {  	s29 =	simm.s32 @!p2 $0x0;
	s26 =	sshrl.u32 @!p2 s26, $0x2;
	[sflag:s15] =	ssyncadd.s32 $0xFFFFF380  }
0x43: {  	[tilespmem:s26], [sflag:$0x1] =	stream.linear.gather @!p2 [hbm4b:s24+s29], $0xC80, $0x38;
	[tilespmem:$0x1AB00] =	vst v63  }
.Ltmp1:
0x44: {  	s26 =	sshrl.u32 s25, $0x2;
	s25 =	sadd.s32 $0x1900, s28;
	(pc) =	sbr.rel @p1 .LBB2_2-.Ltmp1, $4  }
0x45: {  	[tilespmem:s25], [sflag:$0x2] =	stream.indirect.gather [spmem:s2], $0x10, s26, s16, $0xb8;
	[tilespmem:$0x1AB00] =	vst v63  }
0x46: {  	_ =	swait.ge [sflag:s20], $0xC800  }
0x47: {  	s26 =	sshrl.u32 s23, $0x3;
	s23 =	sadd.s32 $0x190000, s23;
	[sflag:s20] =	ssyncset.done $0x0  }
0x48: {  	s24 =	sadd.s32 $0x3200, s24;
	s26 =	sadd.s32 s1, s26;
	[sflag:s20] =	ssyncadd.s32 $0xFFFF3800  }
.LBB2_3:
0x49: {  	[hbm4b:s26+s3] =	stream.linear.scatter [tilespmem:s25], [sflag:$0x3], $0xC800, $0x38;
	[tilespmem:$0x1AB00] =	vst v63  }
0x4a: {  	s21 =	sadd.s32 $0x1, s21  }
0x4b: {  	_ =	swait.ge [sflag:s19], $0xC800;
	p1 =	sne.s32 s21, s7  }
.Ltmp2:
0x4c: {  	[sflag:s19] =	ssyncset.done $0x0;
	(pc) =	sbr.rel @p1 .LBB2_1-.Ltmp2, $4  }
0x4d: {  	[sflag:s19] =	ssyncadd.s32 $0xFFFF3800  }
0x4e: {  	_ =	swait.ge [sflag:s19], $0xC800  }
0x4f: {  	[sflag:s19] =	ssyncset.done $0x0  }
0x50: {  	[sflag:s19] =	ssyncadd.s32 $0xFFFF3800  }
0x51: {  	_ =	sfence.sel $0x180000  }
0x52: {  	[bflag:$0x0] =	sbarrier.arrive $0xFFFF  }
0x53: {  	_ =	strace $0x90000047  }
0x54: {  	s0 =	sadd.s32 @!p0 $0x100000, s0;
	[bflag:$0x2] =	sbarrier.arrive $0xFFFF  }
0x55: {  	[sflag:s0] =	ssyncadd.tile.s32 @!p0 $0x1;
	_ =	shalt  }
.Lfunc_end2:
_tile_overlayer_lowered:
.L_overlay_start_2:
0x56: {  	(tag) =	ssettag $0x2  }
0x57: {  	s0 =	rddreg [dreg:$0x0];
	s2 =	stileid.u32  }
0x58: {  	s1 =	rddreg [dreg:$0x1];
	p0 =	sne.s32 s2, $0x0  }
0x59: {  	s3 =	rddreg [dreg:$0x2];
	[bflag:$0x3] =	sbarrier.arrive $0xFFFF;
	s2 =	simm.s32 @!p0 $0x1C04  }
0x5a: {  	[timem:s3], [sflag:s2] =	dma.local @!p0 [hbm:s0], s1  }
0x5b: {  	s0 =	simm.s32 @!p0 $0x4  }
0x5c: {  	_ =	swait.ge @!p0 [sflag:s0], s1  }
0x5d: {  	s1 =	ssub.s32 @!p0 $0x0, s1;
	[sflag:s0] =	ssyncset.done @!p0 $0x0  }
0x5e: {  	[sflag:s0] =	ssyncadd.s32 @!p0 s1  }
0x5f: {  	[bflag:$0x3] =	sbarrier.arrive $0xFFFF  }
0x60: {  	_ =	shalt  }

// kernel: sparse-core-data-format-call.cloned.1.call-start
scs
called_computation_lowered:
.L_overlay_start_0:
0x0: {  	s2 =	sld [smem:$0x3FD9]  }
0x1: {  	s3 =	sld [smem:$0x3FFE];
	_ =	sdelay $0x1  }
0x2: {  	s1 =	srdreg.scid  }
0x3: {  	s0 =	sand.u32 $0x1, s1  }
0x4: {  	s18 =	sshll.u32 s0, $0xA;
	s2 =	sadd.s32 s3, s2  }
0x5: {  	s2 =	sadd.s32 s2, s18  }
0x6: {  	[smem:$0x3FC4] =	sst s2  }
0x7: {  	_ = 	snop  }
0x8: {  	s2 =	sld [smem:$0x3FD0];
	(tm) =	ssettm $0x1  }
0x9: {  	s19 =	sld [smem:$0x3FFB];
	_ =	sdelay $0x3  }
0xa: {  	_ =	strace s19  }
0xb: {  	s3 =	sld [smem:$0x3FFC];
	_ =	sdelay $0x3  }
0xc: {  	_ =	strace s3  }
0xd: {  	s3 =	sld [smem:$0x3FFD];
	_ =	sdelay $0x3  }
0xe: {  	_ =	strace s3  }
0xf: {  	_ =	strace $0x8FFFFFFF  }
0x10: {  	s20 =	sld [smem:$0x3FDB];
	_ =	sdelay $0x1  }
0x11: {  	s4 =	simm.s32 $_scs_section_size  }
0x12: {  	s5 =	simm.s32 $_size__tile_overlayer_lowered;
	s6 =	simm.s32 $_tile_overlayer_lowered  }
0x13: {  	s23 =	simm.s32 $0x1BFF;
	s22 =	sshll.u32 s6, $0x1;
	s3 =	sadd.s32 s4, s20  }
0x14: {  	s7 =	simm.s32 $0x0;
	s21 =	sshll.u32 s5, $0x1;
	s5 =	sadd.s32 s22, s3  }
0x15: {  	[timem:s7], [sflag:s23] =	dma.local [hbm:s5], s21  }
0x16: {  	_ =	swait.ge [sflag:s23], s21  }
0x17: {  	s4 =	ssub.s32 $0x0, s21;
	[sflag:s23] =	ssyncset.done $0x0  }
0x18: {  	[sflag:s23] =	ssyncadd.s32 s4;
	_ =	sdelay $0x1  }
0x19: {  	s24 =	simm.s32 $0x1B8B  }
0x1a: {  	_ =	swait.ge [sflag:s24], $0x1  }
0x1b: {  	[sflag:s24] =	ssyncset.done $0x0  }
0x1c: {  	s26 =	simm.s32 $0x1B8E;
	s25 =	sld [smem:$0x3FFE];
	[sflag:s24] =	ssyncadd.s32 $0xFFFFFFFF  }
0x1d: {  	s27 =	simm.s32 $execute0_lowered;
	[smem:$0x3FD2] =	sst s26  }
0x1e: {  	s5 =	sshll.u32 s27, $0x1;
	_ =	strace $0x80000049;
	[dreg:$0x1] =	wrdreg $0xFFFFFFFF  }
0x1f: {  	s28 =	simm.s32 $_size_execute0_lowered;
	s3 =	sadd.s32 s3, s5;
	[dreg:$0x0] =	wrdreg $0x0  }
0x20: {  	s5 =	sshll.u32 s28, $0x1;
	[dreg:$0x2] =	wrdreg s3  }
0x21: {  	[dreg:$0x3] =	wrdreg s5  }
0x22: {  	[dreg:$0x4] =	wrdreg $0xC0  }
0x23: {  	_ =	task [dreg:s7], $0x5FFFF  }
0x24: {  	[dreg:$0x1] =	wrdreg $0xFFFFFFFF  }
0x25: {  	[dreg:$0x0] =	wrdreg $0x60  }
0x26: {  	[dreg:$0x2] =	wrdreg s25  }
0x27: {  	[dreg:$0x3] =	wrdreg s2  }
0x28: {  	[dreg:$0x4] =	wrdreg $0x9  }
0x29: {  	_ =	task.clear_ibuf [dreg:s7], $0x5FFFF;
	_ =	strace $0x90000049  }
0x2a: {  	s29 =	simm.s32 $0x9;
	_ =	strace $0x8000004B  }
0x2b: {  	_ =	swait.ge [sflag:s29], $0x1  }
0x2c: {  	[sflag:s29] =	ssyncadd.s32 $0xFFFFFFFF  }
0x2d: {  	_ =	strace $0x9000004B  }
0x2e: {  	_ =	sfence  }
0x2f: {  	s30 =	sld [smem:$0x0];
	_ =	sdelay $0x2  }
0x30: {  	s31 =	sshll.u32 s1, $0xD;
	s1 =	sshrl.u32 s1, $0x2  }
0x31: {  	s3 =	sand.u32 $0x4000, s31;
	s1 =	sadd.s32 s1, s30  }
0x32: {  	s0 =	sor.u32 s3, s0;
	s1 =	sshll.u32 s1, $0x11  }
0x33: {  	s0 =	sor.u32 s1, s0  }
0x34: {  	s0 =	sadd.s32 $0x8F2B, s0  }
0x35: {  	[sflag:s0] =	ssyncadd.remote.s32 $0x1  }
0x36: {  	_ =	sfence.sel $0xFFFF  }
0x37: {  	[dreg:$0x0] =	wrdreg $0xFFFFFFFF;
	(pc) =	sbr.abs _section_cstart, $3  }
0x38: {  	[dreg:$0x1] =	wrdreg $0xFFFFFFFF  }
0x39: {  	_ =	task.clear_ibuf [dreg:s7], $0x2FFFF;
	_ =	strace $0x9FFFFFFF  }
0x3a: {  	(tm) =	ssettm $0x7FFFFFFF  }
0x3b: {  	_ =	shalt  }
tec
execute0_lowered:
.L_overlay_start_1:
0x0: {  	(tag) =	ssettag $0x1  }
0x1: {  	s0 =	srdreg.scid  }
0x2: {  	s1 =	sshll.u32 s0, $0x4  }
0x3: {  	s4 =	rddreg [dreg:$0x0];
	s0 =	stileid.u32;
	s1 =	sand.u32 $0x10, s1  }
0x4: {  	s2 =	rddreg [dreg:$0x1];
	s7 =	simm.s32 $0x1;
	s1 =	sor.u32 s0, s1  }
0x5: {  	s8 =	simm.s32 $0x2;
	s11 =	simm.s32 $0x0;
	s3 =	sshll.u32 s1, $0x7  }
0x6: {  	s10 =	simm.s32 $0x0;
	s4 =	sadd.s32 $0x1000, s4;
	s6 =	ssub.s32 $0x30D400, s3  }
.Ltmp0:
0x7: {  	s1 =	rddreg [dreg:$0x2];
	s5 =	sand.u32 $0xF80, s6;
	(pc) =	sbr.rel .LBB1_1-.Ltmp0, $4  }
0x8: {  	_ =	strace $0x8000004A;
	s9 =	smov.u32 s3;
	p0 =	sne.s32 s5, $0x0  }
0x9: {  	s6 =	sshrl.u32 s6, $0xC;
	s5 =	simm.s32 $0x1;
	s7 =	simm.s32 @!p0 $0x0  }
0xa: {  	[sflag:s5] =	ssyncpa.u1 $0x0;
	p0 =	por $0x0, $0x0;
	s6 =	sadd.s32 s7, s6  }
0xb: {  	[sflag:s8] =	ssyncpa.u1 $0x0;
	s8 =	simm.s32 $0x186A000;
	s7 =	sadd.s32 $0x1, s6  }
.LBB1_4:
0xc: {  	s14 =	sshll.u32 s11, $0x3  }
0xd: {  	s15 =	sshrl.u32 s14, $0xA  }
0xe: {  	s15 =	smulhi.u32 $0x53E2D7, s15;
	_ =	sdelay $0x1  }
0xf: {  	s15 =	sshrl.u32 s15, $0x2  }
0x10: {  	s28 =	sand.u32 $0x7F, s11;
	s14 =	sand.u32 $0xFFFFFC00, s14;
	s16 =	smul.u32 $0x30D400, s15  }
0x11: {  	[tilespmem:s12+$0xFFFFFFFC ss:$0x81] =	vst.msk $0xffff, v1;
	s11 =	sor.u32 s28, s14;
	s29 =	sand.u32 $0xF, s15  }
0x12: {  	[tilespmem:s12+$0xFFFFFFFD ss:$0x81] =	vst.msk $0xffff, v2;
	s14 =	smul.u32 $0x61A80, s29;
	s11 =	ssub.s32 s11, s16  }
0x13: {  	[tilespmem:s12+$0xFFFFFFFE ss:$0x81] =	vst.msk $0xffff, v0;
	s30 =	sand.u32 $0x7, s11  }
0x14: {  	[tilespmem:s12+$0xFFFFFFFF ss:$0x81] =	vst.msk $0xffff, v4;
	s11 =	sshrl.u32 s11, $0x3;
	s14 =	sadd.s32 s2, s14;
	s15 =	sshll.u32 s30, $0x12  }
0x15: {  	[tilespmem:s12+$0xFFFFFFF9 ss:$0x81] =	vst.msk $0xffff, v3;
	s11 =	sadd.s32 s11, s14;
	s31 =	sor.u32 $0x400, s15  }
0x16: {  	[hbm4b:s11+s31] =	stream.strided.scatter [tilespmem:s13], [sflag:$0x2], $0x800, s8, s31, $0x20;
	[tilespmem:$0x2020] =	vst v63  }
.LBB1_5:
0x17: {  	s13 =	sadd.s32 $0x1000, s9  }
0x18: {  	p2 =	sgt.s32 s13, $0x30D3FF  }
0x19: {  	s13 =	smov.u32 @p2 s3;
	p2 =	sne.s32 s10, s7  }
.Ltmp1:
0x1a: {  	p1 =	slt.u32 s10, $0x2;
	(pc) =	sbr.rel @!p2 .LBB1_6-.Ltmp1, $4  }
0x1b: {  	s12 =	simm.s32 @!p1 $0x2  }
0x1c: {  	s14 =	sadd.s32 $0x1, s10;
	_ =	swait.ge @!p1 [sflag:s12], $0x800  }
0x1d: {  	s11 =	smov.u32 s9;
	p0 =	por !p0, !p0;
	[sflag:s12] =	ssyncset.done @!p1 $0x0  }
0x1e: {  	s10 =	smov.u32 s14;
	s9 =	smov.u32 s13;
	[sflag:s12] =	ssyncadd.s32 @!p1 $0xFFFFF800  }
.LBB1_1:
0x1f: {  	p1 =	sge.u32 s10, s6  }
0x20: {  	s12 =	sand.u32 @!p1 $0x1FFFFFF, s9  }
0x21: {  	s13 =	smulhi.u32 @!p1 $0x14F8B59, s12;
	_ =	sdelay $0x1  }
0x22: {  	s13 =	sshrl.u32 @!p1 s13, $0xE  }
0x23: {  	s13 =	smul.u32 @!p1 $0x30D400, s13;
	_ =	sdelay $0x1  }
0x24: {  	s31 =	sadd.s32 $0xFFFFFFFF, s10;
	s14 =	sxor.u32 @!p1 $0xFFFFFFFF, s10;
	s12 =	ssub.s32 @!p1 s12, s13  }
0x25: {  	s15 =	simm.s32 @!p1 $0x80;
	s14 =	sshll.u32 @!p1 s14, $0xB;
	s12 =	sshll.u32 @!p1 s12, $0x4  }
0x26: {  	s13 =	sand.u32 @!p1 $0x800, s14;
	s14 =	simm.s32 @!p1 $0x10;
	s12 =	sadd.s32 @!p1 s4, s12  }
0x27: {  	[tilespmem:s13], [sflag:$0x1] =	stream.strided.gather @!p1 [hbm4b:s12+s14], $0x800, s15, s14, $0x38;
	[tilespmem:$0x2020] =	vst v63  }
0x28: {  	p1 =	sge.u32 s31, s6  }
.Ltmp2:
0x29: {  	_ = 	snop;
	(pc) =	sbr.rel @p1 .LBB1_5-.Ltmp2, $1  }
0x2a: {  	_ =	sdelay $0x3  }
0x2b: {  	s12 =	simm.s32 $0x1  }
0x2c: {  	_ =	swait.ge [sflag:s5], $0x800;
	s12 =	simm.s32 @!p0 $0x0  }
0x2d: {  	[sflag:s5] =	ssyncset.done $0x0;
	s13 =	sshll.u32 s12, $0xB  }
0x2e: {  	[sflag:s5] =	ssyncadd.s32 $0xFFFFF800;
	s15 =	sor.u32 $0x40, s13  }
0x2f: {  	v3 =	vld [tilespmem:s15+$0x30]  }
0x30: {  	s12 =	smul.u32 $0x2040, s12;
	v4 =	vld [tilespmem:s15+$0xFFFFFFD0]  }
0x31: {  	v5 =	vld [tilespmem:s15+$0xFFFFFFE0]  }
0x32: {  	s31 =	sand.u32 $0x1, s10;
	s12 =	sshrl.u32 s12, $0x2;
	v1 =	vld [tilespmem:s15+$0xFFFFFFF0]  }
0x33: {  	s13 =	smul.u32 $0x2040, s31;
	v2 =	vld [tilespmem:s15+$0x0];
	s12 =	sor.u32 $0x1007, s12  }
0x34: {  	v0 =	vld [tilespmem:s15+$0x10];
	[tilespmem:s12+$0x0 ss:$0x81] =	vst.msk $0xffff, v3  }
0x35: {  	s13 =	sshrl.u32 s13, $0x2;
	[tilespmem:s12+$0xFFFFFFFA ss:$0x81] =	vst.msk $0xffff, v4;
	v4 =	vld [tilespmem:s15+$0x20]  }
0x36: {  	s14 =	simm.s32 $0x0;
	s13 =	sor.u32 $0x1000, s13;
	v3 =	vld [tilespmem:s15+$0xFFFFFFC0];
	[tilespmem:s12+$0xFFFFFFFB ss:$0x81] =	vst.msk $0xffff, v5;
	s15 =	sadd.s32 $0x80, s15  }
.LBB1_3:
0x37: {  	v5 =	vld [tilespmem:s15+$0x30];
	s14 =	sadd.s32 $0x8, s14;
	[tilespmem:s12+$0xFFFFFFFC ss:$0x81] =	vst.msk $0xffff, v1  }
0x38: {  	v6 =	vld [tilespmem:s15+$0xFFFFFFD0];
	p1 =	slt.u32 s14, $0x78;
	[tilespmem:s12+$0xFFFFFFFD ss:$0x81] =	vst.msk $0xffff, v2  }
0x39: {  	v7 =	vld [tilespmem:s15+$0xFFFFFFE0];
	[tilespmem:s12+$0xFFFFFFFE ss:$0x81] =	vst.msk $0xffff, v0  }
.Ltmp3:
0x3a: {  	v1 =	vld [tilespmem:s15+$0xFFFFFFF0];
	[tilespmem:s12+$0xFFFFFFFF ss:$0x81] =	vst.msk $0xffff, v4;
	(pc) =	sbr.rel @p1 .LBB1_3-.Ltmp3, $4  }
0x3b: {  	v2 =	vld [tilespmem:s15+$0x0];
	[tilespmem:s12+$0xFFFFFFF9 ss:$0x81] =	vst.msk $0xffff, v3;
	s12 =	sadd.s32 $0x8, s12  }
0x3c: {  	v0 =	vld [tilespmem:s15+$0x10];
	[tilespmem:s12+$0x0 ss:$0x81] =	vst.msk $0xffff, v5  }
0x3d: {  	[tilespmem:s12+$0xFFFFFFFA ss:$0x81] =	vst.msk $0xffff, v6;
	v4 =	vld [tilespmem:s15+$0x20]  }
0x3e: {  	v3 =	vld [tilespmem:s15+$0xFFFFFFC0];
	[tilespmem:s12+$0xFFFFFFFB ss:$0x81] =	vst.msk $0xffff, v7;
	s15 =	sadd.s32 $0x80, s15  }
.Ltmp4:
0x3f: {  	_ = 	snop;
	(pc) =	sbr.rel .LBB1_4-.Ltmp4, $1  }
0x40: {  	_ =	sdelay $0x3  }
.LBB1_6:
0x41: {  	_ =	sfence.sel $0x180000  }
0x42: {  	s2 =	simm.s32 $0x1;
	[bflag:$0x0] =	sbarrier.arrive $0xFFFF  }
0x43: {  	s31 =	simm.s32 $0x2;
	[sflag:s2] =	ssyncpa.u1 $0x1  }
0x44: {  	[sflag:s31] =	ssyncpa.u1 $0x1  }
0x45: {  	p0 =	sne.s32 s0, $0x0;
	_ =	strace $0x9000004A  }
0x46: {  	s0 =	sadd.s32 @!p0 $0x100000, s1;
	[bflag:$0x2] =	sbarrier.arrive $0xFFFF  }
0x47: {  	[sflag:s0] =	ssyncadd.tile.s32 @!p0 $0x1;
	_ =	shalt  }
.Lfunc_end1:
_tile_overlayer_lowered:
.L_overlay_start_2:
0x48: {  	(tag) =	ssettag $0x2  }
0x49: {  	s0 =	rddreg [dreg:$0x0];
	s2 =	stileid.u32  }
0x4a: {  	s1 =	rddreg [dreg:$0x1];
	p0 =	sne.s32 s2, $0x0  }
0x4b: {  	s3 =	rddreg [dreg:$0x2];
	[bflag:$0x3] =	sbarrier.arrive $0xFFFF;
	s2 =	simm.s32 @!p0 $0x1C01  }
0x4c: {  	[timem:s3], [sflag:s2] =	dma.local @!p0 [hbm:s0], s1  }
0x4d: {  	s0 =	simm.s32 @!p0 $0x1  }
0x4e: {  	_ =	swait.ge @!p0 [sflag:s0], s1  }
0x4f: {  	s1 =	ssub.s32 @!p0 $0x0, s1;
	[sflag:s0] =	ssyncset.done @!p0 $0x0  }
0x50: {  	[sflag:s0] =	ssyncadd.s32 @!p0 s1  }
0x51: {  	[bflag:$0x3] =	sbarrier.arrive $0xFFFF  }
0x52: {  	_ =	shalt  }

</sc_bundles>
